<compile_context>
chip_gen: v7x
topology: tpu7x:2x2x1
jax: 0.10.2.dev20260603
libtpu: 0.0.44.dev20260713+nightly
codegen_flags: <defaults>
</compile_context>

<pallas_src>
import functools

import jax
import jax.numpy as jnp
from jax import lax
from jax.experimental import pallas as pl
from jax.experimental.pallas import tpu as pltpu
from jax.experimental.pallas import tpu_sc as plsc

N_NODES = 10000
N_EDGES = 320000
D = 128

NC = 2
NS = 16
CHUNK = 128
CHUNKS_PER_TILE = 80
IDX_HALF = 40
NBUF = 2
E_TILE = CHUNK * CHUNKS_PER_TILE
E_PAD = E_TILE * NC * NS
N_PAD = 10112
ROWS_PER_TILE = N_PAD // NS


def _sc_aggregate(x, src_p, dst_p):
  mesh = plsc.VectorSubcoreMesh(core_axis_name="c", subcore_axis_name="s")

  @functools.partial(
      pl.kernel,
      mesh=mesh,
      out_type=jax.ShapeDtypeStruct((NC, N_PAD, D), jnp.float32),
      scratch_types=[
          pltpu.VMEM((IDX_HALF, CHUNK), jnp.int32),
          pltpu.VMEM((IDX_HALF, CHUNK), jnp.int32),
          pltpu.VMEM((NBUF, CHUNK, D), jnp.float32),
          pltpu.VMEM_SHARED((N_PAD, D), jnp.float32),
          pltpu.SemaphoreType.DMA,
      ],
  )
  def agg_kernel(x_hbm, src_hbm, dst_hbm, out_hbm, sidx_v, didx_v, rows_v, acc,
                 gsem):
    c = lax.axis_index("c")
    s = lax.axis_index("s")
    w = s * NC + c

    def zero_row(i, _):
      for j in range(D // 16):
        rows_v[0, i, pl.ds(j * 16, 16)] = jnp.zeros((16,), jnp.float32)
      return 0
    lax.fori_loop(0, CHUNK, zero_row, 0)
    full = ROWS_PER_TILE // CHUNK
    for k in range(full):
      pltpu.sync_copy(rows_v.at[0],
                      acc.at[pl.ds(s * ROWS_PER_TILE + k * CHUNK, CHUNK)])
    rem = ROWS_PER_TILE - full * CHUNK
    if rem:
      pltpu.sync_copy(
          rows_v.at[0, pl.ds(0, rem)],
          acc.at[pl.ds(s * ROWS_PER_TILE + full * CHUNK, rem)])
    plsc.subcore_barrier()

    def gather(j, b):
      return pltpu.make_async_copy(x_hbm.at[sidx_v.at[j]], rows_v.at[b], gsem)

    for h in range(CHUNKS_PER_TILE // IDX_HALF):
      pltpu.sync_copy(
          src_hbm.at[pl.ds(w * CHUNKS_PER_TILE + h * IDX_HALF, IDX_HALF)],
          sidx_v)
      pltpu.sync_copy(
          dst_hbm.at[pl.ds(w * CHUNKS_PER_TILE + h * IDX_HALF, IDX_HALF)],
          didx_v)
      for b in range(NBUF):
        gather(b, b).start()

      def outer(j0, _):
        for b in range(NBUF):
          j = j0 + b
          gather(j, b).wait()
          pltpu.sync_copy(rows_v.at[b], acc.at[didx_v.at[j]], add=True)

          @pl.when(j + NBUF < IDX_HALF)
          def _():
            gather(j + NBUF, b).start()
        return 0
      lax.fori_loop(0, IDX_HALF // NBUF, lambda i, u: outer(i * NBUF, u), 0)
    plsc.subcore_barrier()

    pltpu.sync_copy(
        acc.at[pl.ds(s * ROWS_PER_TILE, ROWS_PER_TILE)],
        out_hbm.at[c, pl.ds(s * ROWS_PER_TILE, ROWS_PER_TILE)],
    )

  return agg_kernel(x, src_p, dst_p)


BLK = 1264


def _mm_body(p_ref, w_ref, b_ref, o_ref):
  s = p_ref[0] + p_ref[1]
  o_ref[...] = (
      jnp.dot(s, w_ref[...], preferred_element_type=jnp.float32) + b_ref[...]
  )


def _tc_matmul(parts, W, b2d):
  return pl.pallas_call(
      _mm_body,
      grid=(N_PAD // BLK,),
      in_specs=[
          pl.BlockSpec((NC, BLK, D), lambda i: (0, i, 0)),
          pl.BlockSpec((D, D), lambda i: (0, 0)),
          pl.BlockSpec((1, D), lambda i: (0, 0)),
      ],
      out_specs=pl.BlockSpec((BLK, D), lambda i: (i, 0)),
      out_shape=jax.ShapeDtypeStruct((N_PAD, D), jnp.float32),
  )(parts, W, b2d)


@jax.jit
def kernel(x, edge_index, W, b):
  src = edge_index[0].astype(jnp.int32)
  dst = edge_index[1].astype(jnp.int32)
  ntiles = NC * NS
  per_tile = N_EDGES // ntiles
  pad = E_TILE - per_tile
  pad_src = jnp.zeros((ntiles, pad), jnp.int32)
  pad_dst = jnp.broadcast_to(
      N_NODES + (jnp.arange(pad, dtype=jnp.int32) % (N_PAD - N_NODES)),
      (ntiles, pad))
  src_p = jnp.concatenate([src.reshape(ntiles, per_tile), pad_src], axis=1)
  dst_p = jnp.concatenate([dst.reshape(ntiles, per_tile), pad_dst], axis=1)
  src_p = src_p.reshape(E_PAD // CHUNK, CHUNK)
  dst_p = dst_p.reshape(E_PAD // CHUNK, CHUNK)
  parts = _sc_aggregate(x, src_p, dst_p)
  out = _tc_matmul(parts, W, b.reshape(1, D))
  return out[:N_NODES]

# --- scband reference (transcript-rebuilt; emitter-appended) ---
"""Pipeline reference for scband-rgcn-69887707840819 (READ-ONLY COPY).

The authoritative reference and input builder live on the scoring server;
editing this copy changes nothing except your own understanding.
"""

import jax, jax.numpy as jnp
import numpy as np

N_NODES = 10000
N_EDGES = 320000
D_IN = 128
D_OUT = 128


def setup_inputs(seed: int = 0) -> dict:
    key = jax.random.key(seed)
    k1, k2, k3, k4 = jax.random.split(key, 4)
    x = jax.random.normal(k1, (N_NODES, D_IN), dtype=jnp.float32)
    edge_index = jax.random.randint(k2, (2, N_EDGES), 0, N_NODES, dtype=jnp.int64)
    # Glorot-style weight, zero bias (per dglnn.GraphConv reset_parameters)
    limit = np.sqrt(6.0 / (D_IN + D_OUT))
    W = jax.random.uniform(k3, (D_IN, D_OUT), dtype=jnp.float32, minval=-limit, maxval=limit)
    b = jnp.zeros((D_OUT,), dtype=jnp.float32)
    return {"x": x, "edge_index": edge_index, "W": W, "b": b}


def reference(x, edge_index, W, b):
    # SimpleGraphConv forward with norm='sum', in_feats == out_feats:
    #   - message: copy source node feature 'h' along each edge (edge_udf)
    #   - reduce: sum over incoming messages at each dst node (sum_udf)
    #   - then right-multiply by weight, add bias.
    src = edge_index[0]
    dst = edge_index[1]
    messages = jnp.take(x, src, axis=0)                      # gather  [E, D_IN]
    agg = jax.ops.segment_sum(messages, dst, num_segments=N_NODES)  # scatter-add [N, D_IN]
    rst = jnp.matmul(agg, W)                                  # [N, D_OUT]
    rst = rst + b
    return rst

if __name__ == "__main__":
    import jax
    _d = setup_inputs()
    print(jax.jit(kernel)(*tuple(_d.values())))

</pallas_src>

<mosaic_0001>
#map = affine_map<(d0, d1) -> (0, 0)>
#map1 = affine_map<(d0, d1) -> (0, 0, 0)>
module attributes {stable_mosaic.version = 14 : i64} {
  func.func @agg_kernel(%arg0: i32, %arg1: i32, %arg2: memref<10000x128xf32, #tpu.memory_space<hbm>>, %arg3: memref<2560x128xi32, #tpu.memory_space<hbm>>, %arg4: memref<2560x128xi32, #tpu.memory_space<hbm>>, %arg5: memref<2x10112x128xf32, #tpu.memory_space<hbm>>, %arg6: memref<40x128xi32, #tpu.memory_space<vmem>>, %arg7: memref<40x128xi32, #tpu.memory_space<vmem>>, %arg8: memref<2x128x128xf32, #tpu.memory_space<vmem>>, %arg9: memref<10112x128xf32, #tpu.memory_space<vmem_shared>>, %arg10: memref<!tpu.dma_semaphore, #tpu.memory_space<semaphore_mem>>) attributes {dimension_semantics = [#tpu.dimension_semantics<core_parallel>, #tpu.dimension_semantics<subcore_parallel>], iteration_bounds = array<i64: 2, 16>, scalar_prefetch = 0 : i64, scratch_operands = 5 : i64, tpu.core_type = #tpu.core_type<sc_vector_subcore>, window_params = [{transform_indices = #map}, {transform_indices = #map}, {transform_indices = #map}, {transform_indices = #map1}]} {
    %mul3A = arith.constant 2 : i32
    %mul3A_0 = arith.muli %arg1, %mul3A : i32
    %add3A = arith.addi %mul3A_0, %arg0 : i32
    %scan3A = arith.constant 0 : i32
    %scan3A_1 = arith.constant 0 : i32
    %scan3A_2 = arith.constant 128 : i32
    %scan3A_3 = arith.addi %scan3A_1, %scan3A_2 : i32
    %scan3A_4 = arith.constant 1 : i32
    %scan3A_5 = scf.for %scan3A_113 = %scan3A_1 to %scan3A_3 step %scan3A_4 iter_args(%scan3A_114 = %scan3A) -> (i32)  : i32 {
      %broadcast_in_dim3A = arith.constant 0.000000e+00 : f32
      %broadcast_in_dim3A_115 = vector.broadcast %broadcast_in_dim3A : f32 to vector<16xf32>
      %swap3A = arith.constant 0 : i32
      %swap3A_116 = arith.index_cast %swap3A : i32 to index
      %swap3A_117 = arith.index_cast %scan3A_113 : i32 to index
      %swap3A_118 = arith.constant 0 : index
      %swap3A_119 = tpu.vector_load %arg8[%swap3A_116, %swap3A_117, %swap3A_118] {strides = array<i32>} : memref<2x128x128xf32, #tpu.memory_space<vmem>>, vector<1x1x16xf32>,
      %swap3A_120 = vector.shape_cast %swap3A_119 : vector<1x1x16xf32> to vector<16xf32>
      %swap3A_121 = vector.shape_cast %broadcast_in_dim3A_115 : vector<16xf32> to vector<1x1x16xf32>
      tpu.vector_store %arg8[%swap3A_116, %swap3A_117, %swap3A_118], %swap3A_121 {strides = array<i32>} : memref<2x128x128xf32, #tpu.memory_space<vmem>>, vector<1x1x16xf32>,
      %broadcast_in_dim3A_122 = arith.constant 0.000000e+00 : f32
      %broadcast_in_dim3A_123 = vector.broadcast %broadcast_in_dim3A_122 : f32 to vector<16xf32>
      %swap3A_124 = arith.constant 0 : i32
      %swap3A_125 = arith.index_cast %swap3A_124 : i32 to index
      %swap3A_126 = arith.index_cast %scan3A_113 : i32 to index
      %swap3A_127 = arith.constant 16 : index
      %swap3A_128 = tpu.vector_load %arg8[%swap3A_125, %swap3A_126, %swap3A_127] {strides = array<i32>} : memref<2x128x128xf32, #tpu.memory_space<vmem>>, vector<1x1x16xf32>,
      %swap3A_129 = vector.shape_cast %swap3A_128 : vector<1x1x16xf32> to vector<16xf32>
      %swap3A_130 = vector.shape_cast %broadcast_in_dim3A_123 : vector<16xf32> to vector<1x1x16xf32>
      tpu.vector_store %arg8[%swap3A_125, %swap3A_126, %swap3A_127], %swap3A_130 {strides = array<i32>} : memref<2x128x128xf32, #tpu.memory_space<vmem>>, vector<1x1x16xf32>,
      %broadcast_in_dim3A_131 = arith.constant 0.000000e+00 : f32
      %broadcast_in_dim3A_132 = vector.broadcast %broadcast_in_dim3A_131 : f32 to vector<16xf32>
      %swap3A_133 = arith.constant 0 : i32
      %swap3A_134 = arith.index_cast %swap3A_133 : i32 to index
      %swap3A_135 = arith.index_cast %scan3A_113 : i32 to index
      %swap3A_136 = arith.constant 32 : index
      %swap3A_137 = tpu.vector_load %arg8[%swap3A_134, %swap3A_135, %swap3A_136] {strides = array<i32>} : memref<2x128x128xf32, #tpu.memory_space<vmem>>, vector<1x1x16xf32>,
      %swap3A_138 = vector.shape_cast %swap3A_137 : vector<1x1x16xf32> to vector<16xf32>
      %swap3A_139 = vector.shape_cast %broadcast_in_dim3A_132 : vector<16xf32> to vector<1x1x16xf32>
      tpu.vector_store %arg8[%swap3A_134, %swap3A_135, %swap3A_136], %swap3A_139 {strides = array<i32>} : memref<2x128x128xf32, #tpu.memory_space<vmem>>, vector<1x1x16xf32>,
      %broadcast_in_dim3A_140 = arith.constant 0.000000e+00 : f32
      %broadcast_in_dim3A_141 = vector.broadcast %broadcast_in_dim3A_140 : f32 to vector<16xf32>
      %swap3A_142 = arith.constant 0 : i32
      %swap3A_143 = arith.index_cast %swap3A_142 : i32 to index
      %swap3A_144 = arith.index_cast %scan3A_113 : i32 to index
      %swap3A_145 = arith.constant 48 : index
      %swap3A_146 = tpu.vector_load %arg8[%swap3A_143, %swap3A_144, %swap3A_145] {strides = array<i32>} : memref<2x128x128xf32, #tpu.memory_space<vmem>>, vector<1x1x16xf32>,
      %swap3A_147 = vector.shape_cast %swap3A_146 : vector<1x1x16xf32> to vector<16xf32>
      %swap3A_148 = vector.shape_cast %broadcast_in_dim3A_141 : vector<16xf32> to vector<1x1x16xf32>
      tpu.vector_store %arg8[%swap3A_143, %swap3A_144, %swap3A_145], %swap3A_148 {strides = array<i32>} : memref<2x128x128xf32, #tpu.memory_space<vmem>>, vector<1x1x16xf32>,
      %broadcast_in_dim3A_149 = arith.constant 0.000000e+00 : f32
      %broadcast_in_dim3A_150 = vector.broadcast %broadcast_in_dim3A_149 : f32 to vector<16xf32>
      %swap3A_151 = arith.constant 0 : i32
      %swap3A_152 = arith.index_cast %swap3A_151 : i32 to index
      %swap3A_153 = arith.index_cast %scan3A_113 : i32 to index
      %swap3A_154 = arith.constant 64 : index
      %swap3A_155 = tpu.vector_load %arg8[%swap3A_152, %swap3A_153, %swap3A_154] {strides = array<i32>} : memref<2x128x128xf32, #tpu.memory_space<vmem>>, vector<1x1x16xf32>,
      %swap3A_156 = vector.shape_cast %swap3A_155 : vector<1x1x16xf32> to vector<16xf32>
      %swap3A_157 = vector.shape_cast %broadcast_in_dim3A_150 : vector<16xf32> to vector<1x1x16xf32>
      tpu.vector_store %arg8[%swap3A_152, %swap3A_153, %swap3A_154], %swap3A_157 {strides = array<i32>} : memref<2x128x128xf32, #tpu.memory_space<vmem>>, vector<1x1x16xf32>,
      %broadcast_in_dim3A_158 = arith.constant 0.000000e+00 : f32
      %broadcast_in_dim3A_159 = vector.broadcast %broadcast_in_dim3A_158 : f32 to vector<16xf32>
      %swap3A_160 = arith.constant 0 : i32
      %swap3A_161 = arith.index_cast %swap3A_160 : i32 to index
      %swap3A_162 = arith.index_cast %scan3A_113 : i32 to index
      %swap3A_163 = arith.constant 80 : index
      %swap3A_164 = tpu.vector_load %arg8[%swap3A_161, %swap3A_162, %swap3A_163] {strides = array<i32>} : memref<2x128x128xf32, #tpu.memory_space<vmem>>, vector<1x1x16xf32>,
      %swap3A_165 = vector.shape_cast %swap3A_164 : vector<1x1x16xf32> to vector<16xf32>
      %swap3A_166 = vector.shape_cast %broadcast_in_dim3A_159 : vector<16xf32> to vector<1x1x16xf32>
      tpu.vector_store %arg8[%swap3A_161, %swap3A_162, %swap3A_163], %swap3A_166 {strides = array<i32>} : memref<2x128x128xf32, #tpu.memory_space<vmem>>, vector<1x1x16xf32>,
      %broadcast_in_dim3A_167 = arith.constant 0.000000e+00 : f32
      %broadcast_in_dim3A_168 = vector.broadcast %broadcast_in_dim3A_167 : f32 to vector<16xf32>
      %swap3A_169 = arith.constant 0 : i32
      %swap3A_170 = arith.index_cast %swap3A_169 : i32 to index
      %swap3A_171 = arith.index_cast %scan3A_113 : i32 to index
      %swap3A_172 = arith.constant 96 : index
      %swap3A_173 = tpu.vector_load %arg8[%swap3A_170, %swap3A_171, %swap3A_172] {strides = array<i32>} : memref<2x128x128xf32, #tpu.memory_space<vmem>>, vector<1x1x16xf32>,
      %swap3A_174 = vector.shape_cast %swap3A_173 : vector<1x1x16xf32> to vector<16xf32>
      %swap3A_175 = vector.shape_cast %broadcast_in_dim3A_168 : vector<16xf32> to vector<1x1x16xf32>
      tpu.vector_store %arg8[%swap3A_170, %swap3A_171, %swap3A_172], %swap3A_175 {strides = array<i32>} : memref<2x128x128xf32, #tpu.memory_space<vmem>>, vector<1x1x16xf32>,
      %broadcast_in_dim3A_176 = arith.constant 0.000000e+00 : f32
      %broadcast_in_dim3A_177 = vector.broadcast %broadcast_in_dim3A_176 : f32 to vector<16xf32>
      %swap3A_178 = arith.constant 0 : i32
      %swap3A_179 = arith.index_cast %swap3A_178 : i32 to index
      %swap3A_180 = arith.index_cast %scan3A_113 : i32 to index
      %swap3A_181 = arith.constant 112 : index
      %swap3A_182 = tpu.vector_load %arg8[%swap3A_179, %swap3A_180, %swap3A_181] {strides = array<i32>} : memref<2x128x128xf32, #tpu.memory_space<vmem>>, vector<1x1x16xf32>,
      %swap3A_183 = vector.shape_cast %swap3A_182 : vector<1x1x16xf32> to vector<16xf32>
      %swap3A_184 = vector.shape_cast %broadcast_in_dim3A_177 : vector<16xf32> to vector<1x1x16xf32>
      tpu.vector_store %arg8[%swap3A_179, %swap3A_180, %swap3A_181], %swap3A_184 {strides = array<i32>} : memref<2x128x128xf32, #tpu.memory_space<vmem>>, vector<1x1x16xf32>,
      %scan3A_185 = arith.constant 0 : i32
      scf.yield %scan3A_185 : i32
    }
    %scan3A_6 = arith.constant 128 : i32
    %mul3A_7 = arith.constant 632 : i32
    %mul3A_8 = arith.muli %arg1, %mul3A_7 : i32
    %add3A_9 = arith.constant 0 : i32
    %add3A_10 = arith.addi %mul3A_8, %add3A_9 : i32
    %run_scoped3A = arith.constant 0 : i32
    "tpu.region"() ({
      %run_scoped3A_113 = tpu.sem_alloc : memref<!tpu.dma_semaphore, #tpu.memory_space<semaphore_mem>>
      %dma_start3A_114 = arith.constant 0 : i32
      %dma_start3A_115 = arith.constant 0 : i32
      %dma_start3A_116 = tpu.memref_slice %arg8[%run_scoped3A, %dma_start3A_114, %dma_start3A_115] : memref<2x128x128xf32, #tpu.memory_space<vmem>> -> memref<1x128x128xf32, #tpu.memory_space<vmem>>
      %dma_start3A_117 = tpu.memref_squeeze %dma_start3A_116 : memref<1x128x128xf32, #tpu.memory_space<vmem>> -> memref<128x128xf32, #tpu.memory_space<vmem>>
      %dma_start3A_118 = arith.constant 0 : i32
      %dma_start3A_119 = tpu.memref_slice %arg9[%add3A_10, %dma_start3A_118] : memref<10112x128xf32, #tpu.memory_space<vmem_shared>> -> memref<128x128xf32, #tpu.memory_space<vmem_shared>>
      %dma_start3A_120 = arith.constant 0 : i32
      %dma_start3A_121 = tpu.memref_slice %arg9[%add3A_10, %dma_start3A_120] : memref<10112x128xf32, #tpu.memory_space<vmem_shared>> -> memref<128x128xf32, #tpu.memory_space<vmem_shared>>
      %dma_start3A_122 = arith.constant 0 : i32
      %dma_start3A_123 = arith.constant 0 : i32
      %dma_start3A_124 = tpu.memref_slice %arg8[%run_scoped3A, %dma_start3A_122, %dma_start3A_123] : memref<2x128x128xf32, #tpu.memory_space<vmem>> -> memref<1x128x128xf32, #tpu.memory_space<vmem>>
      %dma_start3A_125 = tpu.memref_squeeze %dma_start3A_124 : memref<1x128x128xf32, #tpu.memory_space<vmem>> -> memref<128x128xf32, #tpu.memory_space<vmem>>
      tpu.enqueue_dma source(%dma_start3A_125 : memref<128x128xf32, #tpu.memory_space<vmem>>) target(%dma_start3A_121 : memref<128x128xf32, #tpu.memory_space<vmem_shared>>) target_semaphore(%run_scoped3A_113 : memref<!tpu.dma_semaphore, #tpu.memory_space<semaphore_mem>>)
      %dma_wait3A = arith.constant 0 : i32
      %dma_wait3A_126 = arith.constant 0 : i32
      %dma_wait3A_127 = tpu.memref_slice %arg8[%run_scoped3A, %dma_wait3A, %dma_wait3A_126] : memref<2x128x128xf32, #tpu.memory_space<vmem>> -> memref<1x128x128xf32, #tpu.memory_space<vmem>>
      %dma_wait3A_128 = tpu.memref_squeeze %dma_wait3A_127 : memref<1x128x128xf32, #tpu.memory_space<vmem>> -> memref<128x128xf32, #tpu.memory_space<vmem>>
      %dma_wait3A_129 = arith.constant 0 : i32
      %dma_wait3A_130 = tpu.memref_slice %arg9[%add3A_10, %dma_wait3A_129] : memref<10112x128xf32, #tpu.memory_space<vmem_shared>> -> memref<128x128xf32, #tpu.memory_space<vmem_shared>>
      %dma_wait3A_131 = arith.constant 0 : i32
      %dma_wait3A_132 = tpu.memref_slice %arg9[%add3A_10, %dma_wait3A_131] : memref<10112x128xf32, #tpu.memory_space<vmem_shared>> -> memref<128x128xf32, #tpu.memory_space<vmem_shared>>
      %dma_wait3A_133 = arith.constant 0 : i32
      %dma_wait3A_134 = arith.constant 0 : i32
      %dma_wait3A_135 = tpu.memref_slice %arg8[%run_scoped3A, %dma_wait3A_133, %dma_wait3A_134] : memref<2x128x128xf32, #tpu.memory_space<vmem>> -> memref<1x128x128xf32, #tpu.memory_space<vmem>>
      %dma_wait3A_136 = tpu.memref_squeeze %dma_wait3A_135 : memref<1x128x128xf32, #tpu.memory_space<vmem>> -> memref<128x128xf32, #tpu.memory_space<vmem>>
      tpu.wait_dma2 semaphore(%run_scoped3A_113 : memref<!tpu.dma_semaphore, #tpu.memory_space<semaphore_mem>>) src(%dma_wait3A_136 : memref<128x128xf32, #tpu.memory_space<vmem>>) dst(%dma_wait3A_132 : memref<128x128xf32, #tpu.memory_space<vmem_shared>>)
      tpu.yield
    }) : () -> ()
    %mul3A_11 = arith.constant 632 : i32
    %mul3A_12 = arith.muli %arg1, %mul3A_11 : i32
    %add3A_13 = arith.constant 128 : i32
    %add3A_14 = arith.addi %mul3A_12, %add3A_13 : i32
    %run_scoped3A_15 = arith.constant 0 : i32
    "tpu.region"() ({
      %run_scoped3A_113 = tpu.sem_alloc : memref<!tpu.dma_semaphore, #tpu.memory_space<semaphore_mem>>
      %dma_start3A_114 = arith.constant 0 : i32
      %dma_start3A_115 = arith.constant 0 : i32
      %dma_start3A_116 = tpu.memref_slice %arg8[%run_scoped3A_15, %dma_start3A_114, %dma_start3A_115] : memref<2x128x128xf32, #tpu.memory_space<vmem>> -> memref<1x128x128xf32, #tpu.memory_space<vmem>>
      %dma_start3A_117 = tpu.memref_squeeze %dma_start3A_116 : memref<1x128x128xf32, #tpu.memory_space<vmem>> -> memref<128x128xf32, #tpu.memory_space<vmem>>
      %dma_start3A_118 = arith.constant 0 : i32
      %dma_start3A_119 = tpu.memref_slice %arg9[%add3A_14, %dma_start3A_118] : memref<10112x128xf32, #tpu.memory_space<vmem_shared>> -> memref<128x128xf32, #tpu.memory_space<vmem_shared>>
      %dma_start3A_120 = arith.constant 0 : i32
      %dma_start3A_121 = tpu.memref_slice %arg9[%add3A_14, %dma_start3A_120] : memref<10112x128xf32, #tpu.memory_space<vmem_shared>> -> memref<128x128xf32, #tpu.memory_space<vmem_shared>>
      %dma_start3A_122 = arith.constant 0 : i32
      %dma_start3A_123 = arith.constant 0 : i32
      %dma_start3A_124 = tpu.memref_slice %arg8[%run_scoped3A_15, %dma_start3A_122, %dma_start3A_123] : memref<2x128x128xf32, #tpu.memory_space<vmem>> -> memref<1x128x128xf32, #tpu.memory_space<vmem>>
      %dma_start3A_125 = tpu.memref_squeeze %dma_start3A_124 : memref<1x128x128xf32, #tpu.memory_space<vmem>> -> memref<128x128xf32, #tpu.memory_space<vmem>>
      tpu.enqueue_dma source(%dma_start3A_125 : memref<128x128xf32, #tpu.memory_space<vmem>>) target(%dma_start3A_121 : memref<128x128xf32, #tpu.memory_space<vmem_shared>>) target_semaphore(%run_scoped3A_113 : memref<!tpu.dma_semaphore, #tpu.memory_space<semaphore_mem>>)
      %dma_wait3A = arith.constant 0 : i32
      %dma_wait3A_126 = arith.constant 0 : i32
      %dma_wait3A_127 = tpu.memref_slice %arg8[%run_scoped3A_15, %dma_wait3A, %dma_wait3A_126] : memref<2x128x128xf32, #tpu.memory_space<vmem>> -> memref<1x128x128xf32, #tpu.memory_space<vmem>>
      %dma_wait3A_128 = tpu.memref_squeeze %dma_wait3A_127 : memref<1x128x128xf32, #tpu.memory_space<vmem>> -> memref<128x128xf32, #tpu.memory_space<vmem>>
      %dma_wait3A_129 = arith.constant 0 : i32
      %dma_wait3A_130 = tpu.memref_slice %arg9[%add3A_14, %dma_wait3A_129] : memref<10112x128xf32, #tpu.memory_space<vmem_shared>> -> memref<128x128xf32, #tpu.memory_space<vmem_shared>>
      %dma_wait3A_131 = arith.constant 0 : i32
      %dma_wait3A_132 = tpu.memref_slice %arg9[%add3A_14, %dma_wait3A_131] : memref<10112x128xf32, #tpu.memory_space<vmem_shared>> -> memref<128x128xf32, #tpu.memory_space<vmem_shared>>
      %dma_wait3A_133 = arith.constant 0 : i32
      %dma_wait3A_134 = arith.constant 0 : i32
      %dma_wait3A_135 = tpu.memref_slice %arg8[%run_scoped3A_15, %dma_wait3A_133, %dma_wait3A_134] : memref<2x128x128xf32, #tpu.memory_space<vmem>> -> memref<1x128x128xf32, #tpu.memory_space<vmem>>
      %dma_wait3A_136 = tpu.memref_squeeze %dma_wait3A_135 : memref<1x128x128xf32, #tpu.memory_space<vmem>> -> memref<128x128xf32, #tpu.memory_space<vmem>>
      tpu.wait_dma2 semaphore(%run_scoped3A_113 : memref<!tpu.dma_semaphore, #tpu.memory_space<semaphore_mem>>) src(%dma_wait3A_136 : memref<128x128xf32, #tpu.memory_space<vmem>>) dst(%dma_wait3A_132 : memref<128x128xf32, #tpu.memory_space<vmem_shared>>)
      tpu.yield
    }) : () -> ()
    %mul3A_16 = arith.constant 632 : i32
    %mul3A_17 = arith.muli %arg1, %mul3A_16 : i32
    %add3A_18 = arith.constant 256 : i32
    %add3A_19 = arith.addi %mul3A_17, %add3A_18 : i32
    %run_scoped3A_20 = arith.constant 0 : i32
    "tpu.region"() ({
      %run_scoped3A_113 = tpu.sem_alloc : memref<!tpu.dma_semaphore, #tpu.memory_space<semaphore_mem>>
      %dma_start3A_114 = arith.constant 0 : i32
      %dma_start3A_115 = arith.constant 0 : i32
      %dma_start3A_116 = tpu.memref_slice %arg8[%run_scoped3A_20, %dma_start3A_114, %dma_start3A_115] : memref<2x128x128xf32, #tpu.memory_space<vmem>> -> memref<1x128x128xf32, #tpu.memory_space<vmem>>
      %dma_start3A_117 = tpu.memref_squeeze %dma_start3A_116 : memref<1x128x128xf32, #tpu.memory_space<vmem>> -> memref<128x128xf32, #tpu.memory_space<vmem>>
      %dma_start3A_118 = arith.constant 0 : i32
      %dma_start3A_119 = tpu.memref_slice %arg9[%add3A_19, %dma_start3A_118] : memref<10112x128xf32, #tpu.memory_space<vmem_shared>> -> memref<128x128xf32, #tpu.memory_space<vmem_shared>>
      %dma_start3A_120 = arith.constant 0 : i32
      %dma_start3A_121 = tpu.memref_slice %arg9[%add3A_19, %dma_start3A_120] : memref<10112x128xf32, #tpu.memory_space<vmem_shared>> -> memref<128x128xf32, #tpu.memory_space<vmem_shared>>
      %dma_start3A_122 = arith.constant 0 : i32
      %dma_start3A_123 = arith.constant 0 : i32
      %dma_start3A_124 = tpu.memref_slice %arg8[%run_scoped3A_20, %dma_start3A_122, %dma_start3A_123] : memref<2x128x128xf32, #tpu.memory_space<vmem>> -> memref<1x128x128xf32, #tpu.memory_space<vmem>>
      %dma_start3A_125 = tpu.memref_squeeze %dma_start3A_124 : memref<1x128x128xf32, #tpu.memory_space<vmem>> -> memref<128x128xf32, #tpu.memory_space<vmem>>
      tpu.enqueue_dma source(%dma_start3A_125 : memref<128x128xf32, #tpu.memory_space<vmem>>) target(%dma_start3A_121 : memref<128x128xf32, #tpu.memory_space<vmem_shared>>) target_semaphore(%run_scoped3A_113 : memref<!tpu.dma_semaphore, #tpu.memory_space<semaphore_mem>>)
      %dma_wait3A = arith.constant 0 : i32
      %dma_wait3A_126 = arith.constant 0 : i32
      %dma_wait3A_127 = tpu.memref_slice %arg8[%run_scoped3A_20, %dma_wait3A, %dma_wait3A_126] : memref<2x128x128xf32, #tpu.memory_space<vmem>> -> memref<1x128x128xf32, #tpu.memory_space<vmem>>
      %dma_wait3A_128 = tpu.memref_squeeze %dma_wait3A_127 : memref<1x128x128xf32, #tpu.memory_space<vmem>> -> memref<128x128xf32, #tpu.memory_space<vmem>>
      %dma_wait3A_129 = arith.constant 0 : i32
      %dma_wait3A_130 = tpu.memref_slice %arg9[%add3A_19, %dma_wait3A_129] : memref<10112x128xf32, #tpu.memory_space<vmem_shared>> -> memref<128x128xf32, #tpu.memory_space<vmem_shared>>
      %dma_wait3A_131 = arith.constant 0 : i32
      %dma_wait3A_132 = tpu.memref_slice %arg9[%add3A_19, %dma_wait3A_131] : memref<10112x128xf32, #tpu.memory_space<vmem_shared>> -> memref<128x128xf32, #tpu.memory_space<vmem_shared>>
      %dma_wait3A_133 = arith.constant 0 : i32
      %dma_wait3A_134 = arith.constant 0 : i32
      %dma_wait3A_135 = tpu.memref_slice %arg8[%run_scoped3A_20, %dma_wait3A_133, %dma_wait3A_134] : memref<2x128x128xf32, #tpu.memory_space<vmem>> -> memref<1x128x128xf32, #tpu.memory_space<vmem>>
      %dma_wait3A_136 = tpu.memref_squeeze %dma_wait3A_135 : memref<1x128x128xf32, #tpu.memory_space<vmem>> -> memref<128x128xf32, #tpu.memory_space<vmem>>
      tpu.wait_dma2 semaphore(%run_scoped3A_113 : memref<!tpu.dma_semaphore, #tpu.memory_space<semaphore_mem>>) src(%dma_wait3A_136 : memref<128x128xf32, #tpu.memory_space<vmem>>) dst(%dma_wait3A_132 : memref<128x128xf32, #tpu.memory_space<vmem_shared>>)
      tpu.yield
    }) : () -> ()
    %mul3A_21 = arith.constant 632 : i32
    %mul3A_22 = arith.muli %arg1, %mul3A_21 : i32
    %add3A_23 = arith.constant 384 : i32
    %add3A_24 = arith.addi %mul3A_22, %add3A_23 : i32
    %run_scoped3A_25 = arith.constant 0 : i32
    "tpu.region"() ({
      %run_scoped3A_113 = tpu.sem_alloc : memref<!tpu.dma_semaphore, #tpu.memory_space<semaphore_mem>>
      %dma_start3A_114 = arith.constant 0 : i32
      %dma_start3A_115 = arith.constant 0 : i32
      %dma_start3A_116 = tpu.memref_slice %arg8[%run_scoped3A_25, %dma_start3A_114, %dma_start3A_115] : memref<2x128x128xf32, #tpu.memory_space<vmem>> -> memref<1x128x128xf32, #tpu.memory_space<vmem>>
      %dma_start3A_117 = tpu.memref_squeeze %dma_start3A_116 : memref<1x128x128xf32, #tpu.memory_space<vmem>> -> memref<128x128xf32, #tpu.memory_space<vmem>>
      %dma_start3A_118 = arith.constant 0 : i32
      %dma_start3A_119 = tpu.memref_slice %arg9[%add3A_24, %dma_start3A_118] : memref<10112x128xf32, #tpu.memory_space<vmem_shared>> -> memref<128x128xf32, #tpu.memory_space<vmem_shared>>
      %dma_start3A_120 = arith.constant 0 : i32
      %dma_start3A_121 = tpu.memref_slice %arg9[%add3A_24, %dma_start3A_120] : memref<10112x128xf32, #tpu.memory_space<vmem_shared>> -> memref<128x128xf32, #tpu.memory_space<vmem_shared>>
      %dma_start3A_122 = arith.constant 0 : i32
      %dma_start3A_123 = arith.constant 0 : i32
      %dma_start3A_124 = tpu.memref_slice %arg8[%run_scoped3A_25, %dma_start3A_122, %dma_start3A_123] : memref<2x128x128xf32, #tpu.memory_space<vmem>> -> memref<1x128x128xf32, #tpu.memory_space<vmem>>
      %dma_start3A_125 = tpu.memref_squeeze %dma_start3A_124 : memref<1x128x128xf32, #tpu.memory_space<vmem>> -> memref<128x128xf32, #tpu.memory_space<vmem>>
      tpu.enqueue_dma source(%dma_start3A_125 : memref<128x128xf32, #tpu.memory_space<vmem>>) target(%dma_start3A_121 : memref<128x128xf32, #tpu.memory_space<vmem_shared>>) target_semaphore(%run_scoped3A_113 : memref<!tpu.dma_semaphore, #tpu.memory_space<semaphore_mem>>)
      %dma_wait3A = arith.constant 0 : i32
      %dma_wait3A_126 = arith.constant 0 : i32
      %dma_wait3A_127 = tpu.memref_slice %arg8[%run_scoped3A_25, %dma_wait3A, %dma_wait3A_126] : memref<2x128x128xf32, #tpu.memory_space<vmem>> -> memref<1x128x128xf32, #tpu.memory_space<vmem>>
      %dma_wait3A_128 = tpu.memref_squeeze %dma_wait3A_127 : memref<1x128x128xf32, #tpu.memory_space<vmem>> -> memref<128x128xf32, #tpu.memory_space<vmem>>
      %dma_wait3A_129 = arith.constant 0 : i32
      %dma_wait3A_130 = tpu.memref_slice %arg9[%add3A_24, %dma_wait3A_129] : memref<10112x128xf32, #tpu.memory_space<vmem_shared>> -> memref<128x128xf32, #tpu.memory_space<vmem_shared>>
      %dma_wait3A_131 = arith.constant 0 : i32
      %dma_wait3A_132 = tpu.memref_slice %arg9[%add3A_24, %dma_wait3A_131] : memref<10112x128xf32, #tpu.memory_space<vmem_shared>> -> memref<128x128xf32, #tpu.memory_space<vmem_shared>>
      %dma_wait3A_133 = arith.constant 0 : i32
      %dma_wait3A_134 = arith.constant 0 : i32
      %dma_wait3A_135 = tpu.memref_slice %arg8[%run_scoped3A_25, %dma_wait3A_133, %dma_wait3A_134] : memref<2x128x128xf32, #tpu.memory_space<vmem>> -> memref<1x128x128xf32, #tpu.memory_space<vmem>>
      %dma_wait3A_136 = tpu.memref_squeeze %dma_wait3A_135 : memref<1x128x128xf32, #tpu.memory_space<vmem>> -> memref<128x128xf32, #tpu.memory_space<vmem>>
      tpu.wait_dma2 semaphore(%run_scoped3A_113 : memref<!tpu.dma_semaphore, #tpu.memory_space<semaphore_mem>>) src(%dma_wait3A_136 : memref<128x128xf32, #tpu.memory_space<vmem>>) dst(%dma_wait3A_132 : memref<128x128xf32, #tpu.memory_space<vmem_shared>>)
      tpu.yield
    }) : () -> ()
    %mul3A_26 = arith.constant 632 : i32
    %mul3A_27 = arith.muli %arg1, %mul3A_26 : i32
    %add3A_28 = arith.constant 512 : i32
    %add3A_29 = arith.addi %mul3A_27, %add3A_28 : i32
    %run_scoped3A_30 = arith.constant 0 : i32
    "tpu.region"() ({
      %run_scoped3A_113 = tpu.sem_alloc : memref<!tpu.dma_semaphore, #tpu.memory_space<semaphore_mem>>
      %dma_start3A_114 = arith.constant 0 : i32
      %dma_start3A_115 = arith.constant 0 : i32
      %dma_start3A_116 = tpu.memref_slice %arg8[%run_scoped3A_30, %dma_start3A_114, %dma_start3A_115] : memref<2x128x128xf32, #tpu.memory_space<vmem>> -> memref<1x120x128xf32, #tpu.memory_space<vmem>>
      %dma_start3A_117 = tpu.memref_squeeze %dma_start3A_116 : memref<1x120x128xf32, #tpu.memory_space<vmem>> -> memref<120x128xf32, #tpu.memory_space<vmem>>
      %dma_start3A_118 = arith.constant 0 : i32
      %dma_start3A_119 = tpu.memref_slice %arg9[%add3A_29, %dma_start3A_118] : memref<10112x128xf32, #tpu.memory_space<vmem_shared>> -> memref<120x128xf32, #tpu.memory_space<vmem_shared>>
      %dma_start3A_120 = arith.constant 0 : i32
      %dma_start3A_121 = tpu.memref_slice %arg9[%add3A_29, %dma_start3A_120] : memref<10112x128xf32, #tpu.memory_space<vmem_shared>> -> memref<120x128xf32, #tpu.memory_space<vmem_shared>>
      %dma_start3A_122 = arith.constant 0 : i32
      %dma_start3A_123 = arith.constant 0 : i32
      %dma_start3A_124 = tpu.memref_slice %arg8[%run_scoped3A_30, %dma_start3A_122, %dma_start3A_123] : memref<2x128x128xf32, #tpu.memory_space<vmem>> -> memref<1x120x128xf32, #tpu.memory_space<vmem>>
      %dma_start3A_125 = tpu.memref_squeeze %dma_start3A_124 : memref<1x120x128xf32, #tpu.memory_space<vmem>> -> memref<120x128xf32, #tpu.memory_space<vmem>>
      tpu.enqueue_dma source(%dma_start3A_125 : memref<120x128xf32, #tpu.memory_space<vmem>>) target(%dma_start3A_121 : memref<120x128xf32, #tpu.memory_space<vmem_shared>>) target_semaphore(%run_scoped3A_113 : memref<!tpu.dma_semaphore, #tpu.memory_space<semaphore_mem>>)
      %dma_wait3A = arith.constant 0 : i32
      %dma_wait3A_126 = arith.constant 0 : i32
      %dma_wait3A_127 = tpu.memref_slice %arg8[%run_scoped3A_30, %dma_wait3A, %dma_wait3A_126] : memref<2x128x128xf32, #tpu.memory_space<vmem>> -> memref<1x120x128xf32, #tpu.memory_space<vmem>>
      %dma_wait3A_128 = tpu.memref_squeeze %dma_wait3A_127 : memref<1x120x128xf32, #tpu.memory_space<vmem>> -> memref<120x128xf32, #tpu.memory_space<vmem>>
      %dma_wait3A_129 = arith.constant 0 : i32
      %dma_wait3A_130 = tpu.memref_slice %arg9[%add3A_29, %dma_wait3A_129] : memref<10112x128xf32, #tpu.memory_space<vmem_shared>> -> memref<120x128xf32, #tpu.memory_space<vmem_shared>>
      %dma_wait3A_131 = arith.constant 0 : i32
      %dma_wait3A_132 = tpu.memref_slice %arg9[%add3A_29, %dma_wait3A_131] : memref<10112x128xf32, #tpu.memory_space<vmem_shared>> -> memref<120x128xf32, #tpu.memory_space<vmem_shared>>
      %dma_wait3A_133 = arith.constant 0 : i32
      %dma_wait3A_134 = arith.constant 0 : i32
      %dma_wait3A_135 = tpu.memref_slice %arg8[%run_scoped3A_30, %dma_wait3A_133, %dma_wait3A_134] : memref<2x128x128xf32, #tpu.memory_space<vmem>> -> memref<1x120x128xf32, #tpu.memory_space<vmem>>
      %dma_wait3A_136 = tpu.memref_squeeze %dma_wait3A_135 : memref<1x120x128xf32, #tpu.memory_space<vmem>> -> memref<120x128xf32, #tpu.memory_space<vmem>>
      tpu.wait_dma2 semaphore(%run_scoped3A_113 : memref<!tpu.dma_semaphore, #tpu.memory_space<semaphore_mem>>) src(%dma_wait3A_136 : memref<120x128xf32, #tpu.memory_space<vmem>>) dst(%dma_wait3A_132 : memref<120x128xf32, #tpu.memory_space<vmem_shared>>)
      tpu.yield
    }) : () -> ()
    %barrier3A = arith.constant 0 : index
    tpu.barrier barrier_id(%barrier3A)
    %mul3A_31 = arith.constant 80 : i32
    %mul3A_32 = arith.muli %add3A, %mul3A_31 : i32
    %add3A_33 = arith.constant 0 : i32
    %add3A_34 = arith.addi %mul3A_32, %add3A_33 : i32
    "tpu.region"() ({
      %run_scoped3A_113 = tpu.sem_alloc : memref<!tpu.dma_semaphore, #tpu.memory_space<semaphore_mem>>
      %dma_start3A_114 = arith.constant 0 : i32
      %dma_start3A_115 = tpu.memref_slice %arg3[%add3A_34, %dma_start3A_114] : memref<2560x128xi32, #tpu.memory_space<hbm>> -> memref<40x128xi32, #tpu.memory_space<hbm>>
      %dma_start3A_116 = arith.constant 0 : i32
      %dma_start3A_117 = tpu.memref_slice %arg3[%add3A_34, %dma_start3A_116] : memref<2560x128xi32, #tpu.memory_space<hbm>> -> memref<40x128xi32, #tpu.memory_space<hbm>>
      tpu.enqueue_dma source(%dma_start3A_117 : memref<40x128xi32, #tpu.memory_space<hbm>>) target(%arg6 : memref<40x128xi32, #tpu.memory_space<vmem>>) target_semaphore(%run_scoped3A_113 : memref<!tpu.dma_semaphore, #tpu.memory_space<semaphore_mem>>)
      %dma_wait3A = arith.constant 0 : i32
      %dma_wait3A_118 = tpu.memref_slice %arg3[%add3A_34, %dma_wait3A] : memref<2560x128xi32, #tpu.memory_space<hbm>> -> memref<40x128xi32, #tpu.memory_space<hbm>>
      %dma_wait3A_119 = arith.constant 0 : i32
      %dma_wait3A_120 = tpu.memref_slice %arg3[%add3A_34, %dma_wait3A_119] : memref<2560x128xi32, #tpu.memory_space<hbm>> -> memref<40x128xi32, #tpu.memory_space<hbm>>
      tpu.wait_dma2 semaphore(%run_scoped3A_113 : memref<!tpu.dma_semaphore, #tpu.memory_space<semaphore_mem>>) src(%dma_wait3A_120 : memref<40x128xi32, #tpu.memory_space<hbm>>) dst(%arg6 : memref<40x128xi32, #tpu.memory_space<vmem>>)
      tpu.yield
    }) : () -> ()
    %mul3A_35 = arith.constant 80 : i32
    %mul3A_36 = arith.muli %add3A, %mul3A_35 : i32
    %add3A_37 = arith.constant 0 : i32
    %add3A_38 = arith.addi %mul3A_36, %add3A_37 : i32
    "tpu.region"() ({
      %run_scoped3A_113 = tpu.sem_alloc : memref<!tpu.dma_semaphore, #tpu.memory_space<semaphore_mem>>
      %dma_start3A_114 = arith.constant 0 : i32
      %dma_start3A_115 = tpu.memref_slice %arg4[%add3A_38, %dma_start3A_114] : memref<2560x128xi32, #tpu.memory_space<hbm>> -> memref<40x128xi32, #tpu.memory_space<hbm>>
      %dma_start3A_116 = arith.constant 0 : i32
      %dma_start3A_117 = tpu.memref_slice %arg4[%add3A_38, %dma_start3A_116] : memref<2560x128xi32, #tpu.memory_space<hbm>> -> memref<40x128xi32, #tpu.memory_space<hbm>>
      tpu.enqueue_dma source(%dma_start3A_117 : memref<40x128xi32, #tpu.memory_space<hbm>>) target(%arg7 : memref<40x128xi32, #tpu.memory_space<vmem>>) target_semaphore(%run_scoped3A_113 : memref<!tpu.dma_semaphore, #tpu.memory_space<semaphore_mem>>)
      %dma_wait3A = arith.constant 0 : i32
      %dma_wait3A_118 = tpu.memref_slice %arg4[%add3A_38, %dma_wait3A] : memref<2560x128xi32, #tpu.memory_space<hbm>> -> memref<40x128xi32, #tpu.memory_space<hbm>>
      %dma_wait3A_119 = arith.constant 0 : i32
      %dma_wait3A_120 = tpu.memref_slice %arg4[%add3A_38, %dma_wait3A_119] : memref<2560x128xi32, #tpu.memory_space<hbm>> -> memref<40x128xi32, #tpu.memory_space<hbm>>
      tpu.wait_dma2 semaphore(%run_scoped3A_113 : memref<!tpu.dma_semaphore, #tpu.memory_space<semaphore_mem>>) src(%dma_wait3A_120 : memref<40x128xi32, #tpu.memory_space<hbm>>) dst(%arg7 : memref<40x128xi32, #tpu.memory_space<vmem>>)
      tpu.yield
    }) : () -> ()
    %dma_start3A = arith.constant 0 : i32
    %dma_start3A_39 = arith.constant 0 : i32
    %dma_start3A_40 = arith.constant 0 : i32
    %dma_start3A_41 = arith.constant 0 : i32
    %dma_start3A_42 = tpu.memref_slice %arg8[%dma_start3A_39, %dma_start3A_40, %dma_start3A_41] : memref<2x128x128xf32, #tpu.memory_space<vmem>> -> memref<1x128x128xf32, #tpu.memory_space<vmem>>
    %dma_start3A_43 = tpu.memref_squeeze %dma_start3A_42 : memref<1x128x128xf32, #tpu.memory_space<vmem>> -> memref<128x128xf32, #tpu.memory_space<vmem>>
    %dma_start3A_44 = arith.constant 0 : i32
    %dma_start3A_45 = tpu.memref_slice %arg6[%dma_start3A, %dma_start3A_44] : memref<40x128xi32, #tpu.memory_space<vmem>> -> memref<1x128xi32, #tpu.memory_space<vmem>>
    %dma_start3A_46 = tpu.memref_squeeze %dma_start3A_45 : memref<1x128xi32, #tpu.memory_space<vmem>> -> memref<128xi32, #tpu.memory_space<vmem>>
    %dma_start3A_47 = arith.constant 0 : i32
    %dma_start3A_48 = arith.constant 0 : i32
    %dma_start3A_49 = tpu.memref_slice %arg2[%dma_start3A_47, %dma_start3A_48] : memref<10000x128xf32, #tpu.memory_space<hbm>> -> memref<10000x128xf32, #tpu.memory_space<hbm>>
    tpu.enqueue_indirect_dma source(%dma_start3A_49 : memref<10000x128xf32, #tpu.memory_space<hbm>>) target(%dma_start3A_43 : memref<128x128xf32, #tpu.memory_space<vmem>>) offsets(%dma_start3A_46 : memref<128xi32, #tpu.memory_space<vmem>>) semaphore(%arg10 : memref<!tpu.dma_semaphore, #tpu.memory_space<semaphore_mem>>)
    %dma_start3A_50 = arith.constant 1 : i32
    %dma_start3A_51 = arith.constant 1 : i32
    %dma_start3A_52 = arith.constant 0 : i32
    %dma_start3A_53 = arith.constant 0 : i32
    %dma_start3A_54 = tpu.memref_slice %arg8[%dma_start3A_51, %dma_start3A_52, %dma_start3A_53] : memref<2x128x128xf32, #tpu.memory_space<vmem>> -> memref<1x128x128xf32, #tpu.memory_space<vmem>>
    %dma_start3A_55 = tpu.memref_squeeze %dma_start3A_54 : memref<1x128x128xf32, #tpu.memory_space<vmem>> -> memref<128x128xf32, #tpu.memory_space<vmem>>
    %dma_start3A_56 = arith.constant 0 : i32
    %dma_start3A_57 = tpu.memref_slice %arg6[%dma_start3A_50, %dma_start3A_56] : memref<40x128xi32, #tpu.memory_space<vmem>> -> memref<1x128xi32, #tpu.memory_space<vmem>>
    %dma_start3A_58 = tpu.memref_squeeze %dma_start3A_57 : memref<1x128xi32, #tpu.memory_space<vmem>> -> memref<128xi32, #tpu.memory_space<vmem>>
    %dma_start3A_59 = arith.constant 0 : i32
    %dma_start3A_60 = arith.constant 0 : i32
    %dma_start3A_61 = tpu.memref_slice %arg2[%dma_start3A_59, %dma_start3A_60] : memref<10000x128xf32, #tpu.memory_space<hbm>> -> memref<10000x128xf32, #tpu.memory_space<hbm>>
    tpu.enqueue_indirect_dma source(%dma_start3A_61 : memref<10000x128xf32, #tpu.memory_space<hbm>>) target(%dma_start3A_55 : memref<128x128xf32, #tpu.memory_space<vmem>>) offsets(%dma_start3A_58 : memref<128xi32, #tpu.memory_space<vmem>>) semaphore(%arg10 : memref<!tpu.dma_semaphore, #tpu.memory_space<semaphore_mem>>)
    %scan3A_62 = arith.constant 0 : i32
    %scan3A_63 = arith.constant 0 : i32
    %scan3A_64 = arith.constant 20 : i32
    %scan3A_65 = arith.addi %scan3A_63, %scan3A_64 : i32
    %scan3A_66 = arith.constant 1 : i32
    %scan3A_67 = scf.for %scan3A_113 = %scan3A_63 to %scan3A_65 step %scan3A_66 iter_args(%scan3A_114 = %scan3A_62) -> (i32)  : i32 {
      %mul3A_115 = arith.constant 2 : i32
      %mul3A_116 = arith.muli %scan3A_113, %mul3A_115 : i32
      %add3A_117 = arith.constant 0 : i32
      %add3A_118 = arith.addi %mul3A_116, %add3A_117 : i32
      %dma_wait3A = arith.constant 0 : i32
      %dma_wait3A_119 = arith.constant 0 : i32
      %dma_wait3A_120 = arith.constant 0 : i32
      %dma_wait3A_121 = tpu.memref_slice %arg8[%dma_wait3A, %dma_wait3A_119, %dma_wait3A_120] : memref<2x128x128xf32, #tpu.memory_space<vmem>> -> memref<1x128x128xf32, #tpu.memory_space<vmem>>
      %dma_wait3A_122 = tpu.memref_squeeze %dma_wait3A_121 : memref<1x128x128xf32, #tpu.memory_space<vmem>> -> memref<128x128xf32, #tpu.memory_space<vmem>>
      %dma_wait3A_123 = arith.constant 0 : i32
      %dma_wait3A_124 = tpu.memref_slice %arg6[%add3A_118, %dma_wait3A_123] : memref<40x128xi32, #tpu.memory_space<vmem>> -> memref<1x128xi32, #tpu.memory_space<vmem>>
      %dma_wait3A_125 = tpu.memref_squeeze %dma_wait3A_124 : memref<1x128xi32, #tpu.memory_space<vmem>> -> memref<128xi32, #tpu.memory_space<vmem>>
      %dma_wait3A_126 = arith.constant 0 : i32
      %dma_wait3A_127 = arith.constant 0 : i32
      %dma_wait3A_128 = tpu.memref_slice %arg2[%dma_wait3A_126, %dma_wait3A_127] : memref<10000x128xf32, #tpu.memory_space<hbm>> -> memref<10000x128xf32, #tpu.memory_space<hbm>>
      tpu.wait_indirect_dma semaphore(%arg10 : memref<!tpu.dma_semaphore, #tpu.memory_space<semaphore_mem>>) src(%dma_wait3A_128 : memref<10000x128xf32, #tpu.memory_space<hbm>>) dst(%dma_wait3A_122 : memref<128x128xf32, #tpu.memory_space<vmem>>)
      %run_scoped3A_129 = arith.constant 0 : i32
      "tpu.region"() ({
        %run_scoped3A_156 = tpu.sem_alloc : memref<!tpu.dma_semaphore, #tpu.memory_space<semaphore_mem>>
        %dma_start3A_157 = arith.constant 0 : i32
        %dma_start3A_158 = arith.constant 0 : i32
        %dma_start3A_159 = tpu.memref_slice %arg8[%run_scoped3A_129, %dma_start3A_157, %dma_start3A_158] : memref<2x128x128xf32, #tpu.memory_space<vmem>> -> memref<1x128x128xf32, #tpu.memory_space<vmem>>
        %dma_start3A_160 = tpu.memref_squeeze %dma_start3A_159 : memref<1x128x128xf32, #tpu.memory_space<vmem>> -> memref<128x128xf32, #tpu.memory_space<vmem>>
        %dma_start3A_161 = arith.constant 0 : i32
        %dma_start3A_162 = tpu.memref_slice %arg7[%add3A_118, %dma_start3A_161] : memref<40x128xi32, #tpu.memory_space<vmem>> -> memref<1x128xi32, #tpu.memory_space<vmem>>
        %dma_start3A_163 = tpu.memref_squeeze %dma_start3A_162 : memref<1x128xi32, #tpu.memory_space<vmem>> -> memref<128xi32, #tpu.memory_space<vmem>>
        %dma_start3A_164 = arith.constant 0 : i32
        %dma_start3A_165 = arith.constant 0 : i32
        %dma_start3A_166 = tpu.memref_slice %arg9[%dma_start3A_164, %dma_start3A_165] : memref<10112x128xf32, #tpu.memory_space<vmem_shared>> -> memref<10112x128xf32, #tpu.memory_space<vmem_shared>>
        tpu.enqueue_indirect_dma source(%dma_start3A_160 : memref<128x128xf32, #tpu.memory_space<vmem>>) target(%dma_start3A_166 : memref<10112x128xf32, #tpu.memory_space<vmem_shared>>) offsets(%dma_start3A_163 : memref<128xi32, #tpu.memory_space<vmem>>) semaphore(%run_scoped3A_156 : memref<!tpu.dma_semaphore, #tpu.memory_space<semaphore_mem>>) {add = true}
        %dma_wait3A_167 = arith.constant 0 : i32
        %dma_wait3A_168 = arith.constant 0 : i32
        %dma_wait3A_169 = tpu.memref_slice %arg8[%run_scoped3A_129, %dma_wait3A_167, %dma_wait3A_168] : memref<2x128x128xf32, #tpu.memory_space<vmem>> -> memref<1x128x128xf32, #tpu.memory_space<vmem>>
        %dma_wait3A_170 = tpu.memref_squeeze %dma_wait3A_169 : memref<1x128x128xf32, #tpu.memory_space<vmem>> -> memref<128x128xf32, #tpu.memory_space<vmem>>
        %dma_wait3A_171 = arith.constant 0 : i32
        %dma_wait3A_172 = tpu.memref_slice %arg7[%add3A_118, %dma_wait3A_171] : memref<40x128xi32, #tpu.memory_space<vmem>> -> memref<1x128xi32, #tpu.memory_space<vmem>>
        %dma_wait3A_173 = tpu.memref_squeeze %dma_wait3A_172 : memref<1x128xi32, #tpu.memory_space<vmem>> -> memref<128xi32, #tpu.memory_space<vmem>>
        %dma_wait3A_174 = arith.constant 0 : i32
        %dma_wait3A_175 = arith.constant 0 : i32
        %dma_wait3A_176 = tpu.memref_slice %arg9[%dma_wait3A_174, %dma_wait3A_175] : memref<10112x128xf32, #tpu.memory_space<vmem_shared>> -> memref<10112x128xf32, #tpu.memory_space<vmem_shared>>
        tpu.wait_indirect_dma semaphore(%run_scoped3A_156 : memref<!tpu.dma_semaphore, #tpu.memory_space<semaphore_mem>>) src(%dma_wait3A_170 : memref<128x128xf32, #tpu.memory_space<vmem>>) dst(%dma_wait3A_176 : memref<10112x128xf32, #tpu.memory_space<vmem_shared>>)
        tpu.yield
      }) : () -> ()
      %add3A_130 = arith.constant 2 : i32
      %add3A_131 = arith.addi %add3A_118, %add3A_130 : i32
      %lt3A = arith.constant 40 : i32
      %lt3A_132 = arith.cmpi slt, %add3A_131, %lt3A : i32
      %convert_element_type3A = arith.extui %lt3A_132 : i1 to i32
      %cond3A = arith.constant 0 : i32
      %cond3A_133 = arith.cmpi ne, %convert_element_type3A, %cond3A : i32
      scf.if %cond3A_133 {
        %add3A_156 = arith.constant 2 : i32
        %add3A_157 = arith.addi %add3A_118, %add3A_156 : i32
        %dma_start3A_158 = arith.constant 0 : i32
        %dma_start3A_159 = arith.constant 0 : i32
        %dma_start3A_160 = arith.constant 0 : i32
        %dma_start3A_161 = tpu.memref_slice %arg8[%dma_start3A_158, %dma_start3A_159, %dma_start3A_160] : memref<2x128x128xf32, #tpu.memory_space<vmem>> -> memref<1x128x128xf32, #tpu.memory_space<vmem>>
        %dma_start3A_162 = tpu.memref_squeeze %dma_start3A_161 : memref<1x128x128xf32, #tpu.memory_space<vmem>> -> memref<128x128xf32, #tpu.memory_space<vmem>>
        %dma_start3A_163 = arith.constant 0 : i32
        %dma_start3A_164 = tpu.memref_slice %arg6[%add3A_157, %dma_start3A_163] : memref<40x128xi32, #tpu.memory_space<vmem>> -> memref<1x128xi32, #tpu.memory_space<vmem>>
        %dma_start3A_165 = tpu.memref_squeeze %dma_start3A_164 : memref<1x128xi32, #tpu.memory_space<vmem>> -> memref<128xi32, #tpu.memory_space<vmem>>
        %dma_start3A_166 = arith.constant 0 : i32
        %dma_start3A_167 = arith.constant 0 : i32
        %dma_start3A_168 = tpu.memref_slice %arg2[%dma_start3A_166, %dma_start3A_167] : memref<10000x128xf32, #tpu.memory_space<hbm>> -> memref<10000x128xf32, #tpu.memory_space<hbm>>
        tpu.enqueue_indirect_dma source(%dma_start3A_168 : memref<10000x128xf32, #tpu.memory_space<hbm>>) target(%dma_start3A_162 : memref<128x128xf32, #tpu.memory_space<vmem>>) offsets(%dma_start3A_165 : memref<128xi32, #tpu.memory_space<vmem>>) semaphore(%arg10 : memref<!tpu.dma_semaphore, #tpu.memory_space<semaphore_mem>>)
      } else {
      }
      %add3A_134 = arith.constant 1 : i32
      %add3A_135 = arith.addi %mul3A_116, %add3A_134 : i32
      %dma_wait3A_136 = arith.constant 1 : i32
      %dma_wait3A_137 = arith.constant 0 : i32
      %dma_wait3A_138 = arith.constant 0 : i32
      %dma_wait3A_139 = tpu.memref_slice %arg8[%dma_wait3A_136, %dma_wait3A_137, %dma_wait3A_138] : memref<2x128x128xf32, #tpu.memory_space<vmem>> -> memref<1x128x128xf32, #tpu.memory_space<vmem>>
      %dma_wait3A_140 = tpu.memref_squeeze %dma_wait3A_139 : memref<1x128x128xf32, #tpu.memory_space<vmem>> -> memref<128x128xf32, #tpu.memory_space<vmem>>
      %dma_wait3A_141 = arith.constant 0 : i32
      %dma_wait3A_142 = tpu.memref_slice %arg6[%add3A_135, %dma_wait3A_141] : memref<40x128xi32, #tpu.memory_space<vmem>> -> memref<1x128xi32, #tpu.memory_space<vmem>>
      %dma_wait3A_143 = tpu.memref_squeeze %dma_wait3A_142 : memref<1x128xi32, #tpu.memory_space<vmem>> -> memref<128xi32, #tpu.memory_space<vmem>>
      %dma_wait3A_144 = arith.constant 0 : i32
      %dma_wait3A_145 = arith.constant 0 : i32
      %dma_wait3A_146 = tpu.memref_slice %arg2[%dma_wait3A_144, %dma_wait3A_145] : memref<10000x128xf32, #tpu.memory_space<hbm>> -> memref<10000x128xf32, #tpu.memory_space<hbm>>
      tpu.wait_indirect_dma semaphore(%arg10 : memref<!tpu.dma_semaphore, #tpu.memory_space<semaphore_mem>>) src(%dma_wait3A_146 : memref<10000x128xf32, #tpu.memory_space<hbm>>) dst(%dma_wait3A_140 : memref<128x128xf32, #tpu.memory_space<vmem>>)
      %run_scoped3A_147 = arith.constant 1 : i32
      "tpu.region"() ({
        %run_scoped3A_156 = tpu.sem_alloc : memref<!tpu.dma_semaphore, #tpu.memory_space<semaphore_mem>>
        %dma_start3A_157 = arith.constant 0 : i32
        %dma_start3A_158 = arith.constant 0 : i32
        %dma_start3A_159 = tpu.memref_slice %arg8[%run_scoped3A_147, %dma_start3A_157, %dma_start3A_158] : memref<2x128x128xf32, #tpu.memory_space<vmem>> -> memref<1x128x128xf32, #tpu.memory_space<vmem>>
        %dma_start3A_160 = tpu.memref_squeeze %dma_start3A_159 : memref<1x128x128xf32, #tpu.memory_space<vmem>> -> memref<128x128xf32, #tpu.memory_space<vmem>>
        %dma_start3A_161 = arith.constant 0 : i32
        %dma_start3A_162 = tpu.memref_slice %arg7[%add3A_135, %dma_start3A_161] : memref<40x128xi32, #tpu.memory_space<vmem>> -> memref<1x128xi32, #tpu.memory_space<vmem>>
        %dma_start3A_163 = tpu.memref_squeeze %dma_start3A_162 : memref<1x128xi32, #tpu.memory_space<vmem>> -> memref<128xi32, #tpu.memory_space<vmem>>
        %dma_start3A_164 = arith.constant 0 : i32
        %dma_start3A_165 = arith.constant 0 : i32
        %dma_start3A_166 = tpu.memref_slice %arg9[%dma_start3A_164, %dma_start3A_165] : memref<10112x128xf32, #tpu.memory_space<vmem_shared>> -> memref<10112x128xf32, #tpu.memory_space<vmem_shared>>
        tpu.enqueue_indirect_dma source(%dma_start3A_160 : memref<128x128xf32, #tpu.memory_space<vmem>>) target(%dma_start3A_166 : memref<10112x128xf32, #tpu.memory_space<vmem_shared>>) offsets(%dma_start3A_163 : memref<128xi32, #tpu.memory_space<vmem>>) semaphore(%run_scoped3A_156 : memref<!tpu.dma_semaphore, #tpu.memory_space<semaphore_mem>>) {add = true}
        %dma_wait3A_167 = arith.constant 0 : i32
        %dma_wait3A_168 = arith.constant 0 : i32
        %dma_wait3A_169 = tpu.memref_slice %arg8[%run_scoped3A_147, %dma_wait3A_167, %dma_wait3A_168] : memref<2x128x128xf32, #tpu.memory_space<vmem>> -> memref<1x128x128xf32, #tpu.memory_space<vmem>>
        %dma_wait3A_170 = tpu.memref_squeeze %dma_wait3A_169 : memref<1x128x128xf32, #tpu.memory_space<vmem>> -> memref<128x128xf32, #tpu.memory_space<vmem>>
        %dma_wait3A_171 = arith.constant 0 : i32
        %dma_wait3A_172 = tpu.memref_slice %arg7[%add3A_135, %dma_wait3A_171] : memref<40x128xi32, #tpu.memory_space<vmem>> -> memref<1x128xi32, #tpu.memory_space<vmem>>
        %dma_wait3A_173 = tpu.memref_squeeze %dma_wait3A_172 : memref<1x128xi32, #tpu.memory_space<vmem>> -> memref<128xi32, #tpu.memory_space<vmem>>
        %dma_wait3A_174 = arith.constant 0 : i32
        %dma_wait3A_175 = arith.constant 0 : i32
        %dma_wait3A_176 = tpu.memref_slice %arg9[%dma_wait3A_174, %dma_wait3A_175] : memref<10112x128xf32, #tpu.memory_space<vmem_shared>> -> memref<10112x128xf32, #tpu.memory_space<vmem_shared>>
        tpu.wait_indirect_dma semaphore(%run_scoped3A_156 : memref<!tpu.dma_semaphore, #tpu.memory_space<semaphore_mem>>) src(%dma_wait3A_170 : memref<128x128xf32, #tpu.memory_space<vmem>>) dst(%dma_wait3A_176 : memref<10112x128xf32, #tpu.memory_space<vmem_shared>>)
        tpu.yield
      }) : () -> ()
      %add3A_148 = arith.constant 2 : i32
      %add3A_149 = arith.addi %add3A_135, %add3A_148 : i32
      %lt3A_150 = arith.constant 40 : i32
      %lt3A_151 = arith.cmpi slt, %add3A_149, %lt3A_150 : i32
      %convert_element_type3A_152 = arith.extui %lt3A_151 : i1 to i32
      %cond3A_153 = arith.constant 0 : i32
      %cond3A_154 = arith.cmpi ne, %convert_element_type3A_152, %cond3A_153 : i32
      scf.if %cond3A_154 {
        %add3A_156 = arith.constant 2 : i32
        %add3A_157 = arith.addi %add3A_135, %add3A_156 : i32
        %dma_start3A_158 = arith.constant 1 : i32
        %dma_start3A_159 = arith.constant 0 : i32
        %dma_start3A_160 = arith.constant 0 : i32
        %dma_start3A_161 = tpu.memref_slice %arg8[%dma_start3A_158, %dma_start3A_159, %dma_start3A_160] : memref<2x128x128xf32, #tpu.memory_space<vmem>> -> memref<1x128x128xf32, #tpu.memory_space<vmem>>
        %dma_start3A_162 = tpu.memref_squeeze %dma_start3A_161 : memref<1x128x128xf32, #tpu.memory_space<vmem>> -> memref<128x128xf32, #tpu.memory_space<vmem>>
        %dma_start3A_163 = arith.constant 0 : i32
        %dma_start3A_164 = tpu.memref_slice %arg6[%add3A_157, %dma_start3A_163] : memref<40x128xi32, #tpu.memory_space<vmem>> -> memref<1x128xi32, #tpu.memory_space<vmem>>
        %dma_start3A_165 = tpu.memref_squeeze %dma_start3A_164 : memref<1x128xi32, #tpu.memory_space<vmem>> -> memref<128xi32, #tpu.memory_space<vmem>>
        %dma_start3A_166 = arith.constant 0 : i32
        %dma_start3A_167 = arith.constant 0 : i32
        %dma_start3A_168 = tpu.memref_slice %arg2[%dma_start3A_166, %dma_start3A_167] : memref<10000x128xf32, #tpu.memory_space<hbm>> -> memref<10000x128xf32, #tpu.memory_space<hbm>>
        tpu.enqueue_indirect_dma source(%dma_start3A_168 : memref<10000x128xf32, #tpu.memory_space<hbm>>) target(%dma_start3A_162 : memref<128x128xf32, #tpu.memory_space<vmem>>) offsets(%dma_start3A_165 : memref<128xi32, #tpu.memory_space<vmem>>) semaphore(%arg10 : memref<!tpu.dma_semaphore, #tpu.memory_space<semaphore_mem>>)
      } else {
      }
      %scan3A_155 = arith.constant 0 : i32
      scf.yield %scan3A_155 : i32
    }
    %scan3A_68 = arith.constant 20 : i32
    %mul3A_69 = arith.constant 80 : i32
    %mul3A_70 = arith.muli %add3A, %mul3A_69 : i32
    %add3A_71 = arith.constant 40 : i32
    %add3A_72 = arith.addi %mul3A_70, %add3A_71 : i32
    "tpu.region"() ({
      %run_scoped3A_113 = tpu.sem_alloc : memref<!tpu.dma_semaphore, #tpu.memory_space<semaphore_mem>>
      %dma_start3A_114 = arith.constant 0 : i32
      %dma_start3A_115 = tpu.memref_slice %arg3[%add3A_72, %dma_start3A_114] : memref<2560x128xi32, #tpu.memory_space<hbm>> -> memref<40x128xi32, #tpu.memory_space<hbm>>
      %dma_start3A_116 = arith.constant 0 : i32
      %dma_start3A_117 = tpu.memref_slice %arg3[%add3A_72, %dma_start3A_116] : memref<2560x128xi32, #tpu.memory_space<hbm>> -> memref<40x128xi32, #tpu.memory_space<hbm>>
      tpu.enqueue_dma source(%dma_start3A_117 : memref<40x128xi32, #tpu.memory_space<hbm>>) target(%arg6 : memref<40x128xi32, #tpu.memory_space<vmem>>) target_semaphore(%run_scoped3A_113 : memref<!tpu.dma_semaphore, #tpu.memory_space<semaphore_mem>>)
      %dma_wait3A = arith.constant 0 : i32
      %dma_wait3A_118 = tpu.memref_slice %arg3[%add3A_72, %dma_wait3A] : memref<2560x128xi32, #tpu.memory_space<hbm>> -> memref<40x128xi32, #tpu.memory_space<hbm>>
      %dma_wait3A_119 = arith.constant 0 : i32
      %dma_wait3A_120 = tpu.memref_slice %arg3[%add3A_72, %dma_wait3A_119] : memref<2560x128xi32, #tpu.memory_space<hbm>> -> memref<40x128xi32, #tpu.memory_space<hbm>>
      tpu.wait_dma2 semaphore(%run_scoped3A_113 : memref<!tpu.dma_semaphore, #tpu.memory_space<semaphore_mem>>) src(%dma_wait3A_120 : memref<40x128xi32, #tpu.memory_space<hbm>>) dst(%arg6 : memref<40x128xi32, #tpu.memory_space<vmem>>)
      tpu.yield
    }) : () -> ()
    %mul3A_73 = arith.constant 80 : i32
    %mul3A_74 = arith.muli %add3A, %mul3A_73 : i32
    %add3A_75 = arith.constant 40 : i32
    %add3A_76 = arith.addi %mul3A_74, %add3A_75 : i32
    "tpu.region"() ({
      %run_scoped3A_113 = tpu.sem_alloc : memref<!tpu.dma_semaphore, #tpu.memory_space<semaphore_mem>>
      %dma_start3A_114 = arith.constant 0 : i32
      %dma_start3A_115 = tpu.memref_slice %arg4[%add3A_76, %dma_start3A_114] : memref<2560x128xi32, #tpu.memory_space<hbm>> -> memref<40x128xi32, #tpu.memory_space<hbm>>
      %dma_start3A_116 = arith.constant 0 : i32
      %dma_start3A_117 = tpu.memref_slice %arg4[%add3A_76, %dma_start3A_116] : memref<2560x128xi32, #tpu.memory_space<hbm>> -> memref<40x128xi32, #tpu.memory_space<hbm>>
      tpu.enqueue_dma source(%dma_start3A_117 : memref<40x128xi32, #tpu.memory_space<hbm>>) target(%arg7 : memref<40x128xi32, #tpu.memory_space<vmem>>) target_semaphore(%run_scoped3A_113 : memref<!tpu.dma_semaphore, #tpu.memory_space<semaphore_mem>>)
      %dma_wait3A = arith.constant 0 : i32
      %dma_wait3A_118 = tpu.memref_slice %arg4[%add3A_76, %dma_wait3A] : memref<2560x128xi32, #tpu.memory_space<hbm>> -> memref<40x128xi32, #tpu.memory_space<hbm>>
      %dma_wait3A_119 = arith.constant 0 : i32
      %dma_wait3A_120 = tpu.memref_slice %arg4[%add3A_76, %dma_wait3A_119] : memref<2560x128xi32, #tpu.memory_space<hbm>> -> memref<40x128xi32, #tpu.memory_space<hbm>>
      tpu.wait_dma2 semaphore(%run_scoped3A_113 : memref<!tpu.dma_semaphore, #tpu.memory_space<semaphore_mem>>) src(%dma_wait3A_120 : memref<40x128xi32, #tpu.memory_space<hbm>>) dst(%arg7 : memref<40x128xi32, #tpu.memory_space<vmem>>)
      tpu.yield
    }) : () -> ()
    %dma_start3A_77 = arith.constant 0 : i32
    %dma_start3A_78 = arith.constant 0 : i32
    %dma_start3A_79 = arith.constant 0 : i32
    %dma_start3A_80 = arith.constant 0 : i32
    %dma_start3A_81 = tpu.memref_slice %arg8[%dma_start3A_78, %dma_start3A_79, %dma_start3A_80] : memref<2x128x128xf32, #tpu.memory_space<vmem>> -> memref<1x128x128xf32, #tpu.memory_space<vmem>>
    %dma_start3A_82 = tpu.memref_squeeze %dma_start3A_81 : memref<1x128x128xf32, #tpu.memory_space<vmem>> -> memref<128x128xf32, #tpu.memory_space<vmem>>
    %dma_start3A_83 = arith.constant 0 : i32
    %dma_start3A_84 = tpu.memref_slice %arg6[%dma_start3A_77, %dma_start3A_83] : memref<40x128xi32, #tpu.memory_space<vmem>> -> memref<1x128xi32, #tpu.memory_space<vmem>>
    %dma_start3A_85 = tpu.memref_squeeze %dma_start3A_84 : memref<1x128xi32, #tpu.memory_space<vmem>> -> memref<128xi32, #tpu.memory_space<vmem>>
    %dma_start3A_86 = arith.constant 0 : i32
    %dma_start3A_87 = arith.constant 0 : i32
    %dma_start3A_88 = tpu.memref_slice %arg2[%dma_start3A_86, %dma_start3A_87] : memref<10000x128xf32, #tpu.memory_space<hbm>> -> memref<10000x128xf32, #tpu.memory_space<hbm>>
    tpu.enqueue_indirect_dma source(%dma_start3A_88 : memref<10000x128xf32, #tpu.memory_space<hbm>>) target(%dma_start3A_82 : memref<128x128xf32, #tpu.memory_space<vmem>>) offsets(%dma_start3A_85 : memref<128xi32, #tpu.memory_space<vmem>>) semaphore(%arg10 : memref<!tpu.dma_semaphore, #tpu.memory_space<semaphore_mem>>)
    %dma_start3A_89 = arith.constant 1 : i32
    %dma_start3A_90 = arith.constant 1 : i32
    %dma_start3A_91 = arith.constant 0 : i32
    %dma_start3A_92 = arith.constant 0 : i32
    %dma_start3A_93 = tpu.memref_slice %arg8[%dma_start3A_90, %dma_start3A_91, %dma_start3A_92] : memref<2x128x128xf32, #tpu.memory_space<vmem>> -> memref<1x128x128xf32, #tpu.memory_space<vmem>>
    %dma_start3A_94 = tpu.memref_squeeze %dma_start3A_93 : memref<1x128x128xf32, #tpu.memory_space<vmem>> -> memref<128x128xf32, #tpu.memory_space<vmem>>
    %dma_start3A_95 = arith.constant 0 : i32
    %dma_start3A_96 = tpu.memref_slice %arg6[%dma_start3A_89, %dma_start3A_95] : memref<40x128xi32, #tpu.memory_space<vmem>> -> memref<1x128xi32, #tpu.memory_space<vmem>>
    %dma_start3A_97 = tpu.memref_squeeze %dma_start3A_96 : memref<1x128xi32, #tpu.memory_space<vmem>> -> memref<128xi32, #tpu.memory_space<vmem>>
    %dma_start3A_98 = arith.constant 0 : i32
    %dma_start3A_99 = arith.constant 0 : i32
    %dma_start3A_100 = tpu.memref_slice %arg2[%dma_start3A_98, %dma_start3A_99] : memref<10000x128xf32, #tpu.memory_space<hbm>> -> memref<10000x128xf32, #tpu.memory_space<hbm>>
    tpu.enqueue_indirect_dma source(%dma_start3A_100 : memref<10000x128xf32, #tpu.memory_space<hbm>>) target(%dma_start3A_94 : memref<128x128xf32, #tpu.memory_space<vmem>>) offsets(%dma_start3A_97 : memref<128xi32, #tpu.memory_space<vmem>>) semaphore(%arg10 : memref<!tpu.dma_semaphore, #tpu.memory_space<semaphore_mem>>)
    %scan3A_101 = arith.constant 0 : i32
    %scan3A_102 = arith.constant 0 : i32
    %scan3A_103 = arith.constant 20 : i32
    %scan3A_104 = arith.addi %scan3A_102, %scan3A_103 : i32
    %scan3A_105 = arith.constant 1 : i32
    %scan3A_106 = scf.for %scan3A_113 = %scan3A_102 to %scan3A_104 step %scan3A_105 iter_args(%scan3A_114 = %scan3A_101) -> (i32)  : i32 {
      %mul3A_115 = arith.constant 2 : i32
      %mul3A_116 = arith.muli %scan3A_113, %mul3A_115 : i32
      %add3A_117 = arith.constant 0 : i32
      %add3A_118 = arith.addi %mul3A_116, %add3A_117 : i32
      %dma_wait3A = arith.constant 0 : i32
      %dma_wait3A_119 = arith.constant 0 : i32
      %dma_wait3A_120 = arith.constant 0 : i32
      %dma_wait3A_121 = tpu.memref_slice %arg8[%dma_wait3A, %dma_wait3A_119, %dma_wait3A_120] : memref<2x128x128xf32, #tpu.memory_space<vmem>> -> memref<1x128x128xf32, #tpu.memory_space<vmem>>
      %dma_wait3A_122 = tpu.memref_squeeze %dma_wait3A_121 : memref<1x128x128xf32, #tpu.memory_space<vmem>> -> memref<128x128xf32, #tpu.memory_space<vmem>>
      %dma_wait3A_123 = arith.constant 0 : i32
      %dma_wait3A_124 = tpu.memref_slice %arg6[%add3A_118, %dma_wait3A_123] : memref<40x128xi32, #tpu.memory_space<vmem>> -> memref<1x128xi32, #tpu.memory_space<vmem>>
      %dma_wait3A_125 = tpu.memref_squeeze %dma_wait3A_124 : memref<1x128xi32, #tpu.memory_space<vmem>> -> memref<128xi32, #tpu.memory_space<vmem>>
      %dma_wait3A_126 = arith.constant 0 : i32
      %dma_wait3A_127 = arith.constant 0 : i32
      %dma_wait3A_128 = tpu.memref_slice %arg2[%dma_wait3A_126, %dma_wait3A_127] : memref<10000x128xf32, #tpu.memory_space<hbm>> -> memref<10000x128xf32, #tpu.memory_space<hbm>>
      tpu.wait_indirect_dma semaphore(%arg10 : memref<!tpu.dma_semaphore, #tpu.memory_space<semaphore_mem>>) src(%dma_wait3A_128 : memref<10000x128xf32, #tpu.memory_space<hbm>>) dst(%dma_wait3A_122 : memref<128x128xf32, #tpu.memory_space<vmem>>)
      %run_scoped3A_129 = arith.constant 0 : i32
      "tpu.region"() ({
        %run_scoped3A_156 = tpu.sem_alloc : memref<!tpu.dma_semaphore, #tpu.memory_space<semaphore_mem>>
        %dma_start3A_157 = arith.constant 0 : i32
        %dma_start3A_158 = arith.constant 0 : i32
        %dma_start3A_159 = tpu.memref_slice %arg8[%run_scoped3A_129, %dma_start3A_157, %dma_start3A_158] : memref<2x128x128xf32, #tpu.memory_space<vmem>> -> memref<1x128x128xf32, #tpu.memory_space<vmem>>
        %dma_start3A_160 = tpu.memref_squeeze %dma_start3A_159 : memref<1x128x128xf32, #tpu.memory_space<vmem>> -> memref<128x128xf32, #tpu.memory_space<vmem>>
        %dma_start3A_161 = arith.constant 0 : i32
        %dma_start3A_162 = tpu.memref_slice %arg7[%add3A_118, %dma_start3A_161] : memref<40x128xi32, #tpu.memory_space<vmem>> -> memref<1x128xi32, #tpu.memory_space<vmem>>
        %dma_start3A_163 = tpu.memref_squeeze %dma_start3A_162 : memref<1x128xi32, #tpu.memory_space<vmem>> -> memref<128xi32, #tpu.memory_space<vmem>>
        %dma_start3A_164 = arith.constant 0 : i32
        %dma_start3A_165 = arith.constant 0 : i32
        %dma_start3A_166 = tpu.memref_slice %arg9[%dma_start3A_164, %dma_start3A_165] : memref<10112x128xf32, #tpu.memory_space<vmem_shared>> -> memref<10112x128xf32, #tpu.memory_space<vmem_shared>>
        tpu.enqueue_indirect_dma source(%dma_start3A_160 : memref<128x128xf32, #tpu.memory_space<vmem>>) target(%dma_start3A_166 : memref<10112x128xf32, #tpu.memory_space<vmem_shared>>) offsets(%dma_start3A_163 : memref<128xi32, #tpu.memory_space<vmem>>) semaphore(%run_scoped3A_156 : memref<!tpu.dma_semaphore, #tpu.memory_space<semaphore_mem>>) {add = true}
        %dma_wait3A_167 = arith.constant 0 : i32
        %dma_wait3A_168 = arith.constant 0 : i32
        %dma_wait3A_169 = tpu.memref_slice %arg8[%run_scoped3A_129, %dma_wait3A_167, %dma_wait3A_168] : memref<2x128x128xf32, #tpu.memory_space<vmem>> -> memref<1x128x128xf32, #tpu.memory_space<vmem>>
        %dma_wait3A_170 = tpu.memref_squeeze %dma_wait3A_169 : memref<1x128x128xf32, #tpu.memory_space<vmem>> -> memref<128x128xf32, #tpu.memory_space<vmem>>
        %dma_wait3A_171 = arith.constant 0 : i32
        %dma_wait3A_172 = tpu.memref_slice %arg7[%add3A_118, %dma_wait3A_171] : memref<40x128xi32, #tpu.memory_space<vmem>> -> memref<1x128xi32, #tpu.memory_space<vmem>>
        %dma_wait3A_173 = tpu.memref_squeeze %dma_wait3A_172 : memref<1x128xi32, #tpu.memory_space<vmem>> -> memref<128xi32, #tpu.memory_space<vmem>>
        %dma_wait3A_174 = arith.constant 0 : i32
        %dma_wait3A_175 = arith.constant 0 : i32
        %dma_wait3A_176 = tpu.memref_slice %arg9[%dma_wait3A_174, %dma_wait3A_175] : memref<10112x128xf32, #tpu.memory_space<vmem_shared>> -> memref<10112x128xf32, #tpu.memory_space<vmem_shared>>
        tpu.wait_indirect_dma semaphore(%run_scoped3A_156 : memref<!tpu.dma_semaphore, #tpu.memory_space<semaphore_mem>>) src(%dma_wait3A_170 : memref<128x128xf32, #tpu.memory_space<vmem>>) dst(%dma_wait3A_176 : memref<10112x128xf32, #tpu.memory_space<vmem_shared>>)
        tpu.yield
      }) : () -> ()
      %add3A_130 = arith.constant 2 : i32
      %add3A_131 = arith.addi %add3A_118, %add3A_130 : i32
      %lt3A = arith.constant 40 : i32
      %lt3A_132 = arith.cmpi slt, %add3A_131, %lt3A : i32
      %convert_element_type3A = arith.extui %lt3A_132 : i1 to i32
      %cond3A = arith.constant 0 : i32
      %cond3A_133 = arith.cmpi ne, %convert_element_type3A, %cond3A : i32
      scf.if %cond3A_133 {
        %add3A_156 = arith.constant 2 : i32
        %add3A_157 = arith.addi %add3A_118, %add3A_156 : i32
        %dma_start3A_158 = arith.constant 0 : i32
        %dma_start3A_159 = arith.constant 0 : i32
        %dma_start3A_160 = arith.constant 0 : i32
        %dma_start3A_161 = tpu.memref_slice %arg8[%dma_start3A_158, %dma_start3A_159, %dma_start3A_160] : memref<2x128x128xf32, #tpu.memory_space<vmem>> -> memref<1x128x128xf32, #tpu.memory_space<vmem>>
        %dma_start3A_162 = tpu.memref_squeeze %dma_start3A_161 : memref<1x128x128xf32, #tpu.memory_space<vmem>> -> memref<128x128xf32, #tpu.memory_space<vmem>>
        %dma_start3A_163 = arith.constant 0 : i32
        %dma_start3A_164 = tpu.memref_slice %arg6[%add3A_157, %dma_start3A_163] : memref<40x128xi32, #tpu.memory_space<vmem>> -> memref<1x128xi32, #tpu.memory_space<vmem>>
        %dma_start3A_165 = tpu.memref_squeeze %dma_start3A_164 : memref<1x128xi32, #tpu.memory_space<vmem>> -> memref<128xi32, #tpu.memory_space<vmem>>
        %dma_start3A_166 = arith.constant 0 : i32
        %dma_start3A_167 = arith.constant 0 : i32
        %dma_start3A_168 = tpu.memref_slice %arg2[%dma_start3A_166, %dma_start3A_167] : memref<10000x128xf32, #tpu.memory_space<hbm>> -> memref<10000x128xf32, #tpu.memory_space<hbm>>
        tpu.enqueue_indirect_dma source(%dma_start3A_168 : memref<10000x128xf32, #tpu.memory_space<hbm>>) target(%dma_start3A_162 : memref<128x128xf32, #tpu.memory_space<vmem>>) offsets(%dma_start3A_165 : memref<128xi32, #tpu.memory_space<vmem>>) semaphore(%arg10 : memref<!tpu.dma_semaphore, #tpu.memory_space<semaphore_mem>>)
      } else {
      }
      %add3A_134 = arith.constant 1 : i32
      %add3A_135 = arith.addi %mul3A_116, %add3A_134 : i32
      %dma_wait3A_136 = arith.constant 1 : i32
      %dma_wait3A_137 = arith.constant 0 : i32
      %dma_wait3A_138 = arith.constant 0 : i32
      %dma_wait3A_139 = tpu.memref_slice %arg8[%dma_wait3A_136, %dma_wait3A_137, %dma_wait3A_138] : memref<2x128x128xf32, #tpu.memory_space<vmem>> -> memref<1x128x128xf32, #tpu.memory_space<vmem>>
      %dma_wait3A_140 = tpu.memref_squeeze %dma_wait3A_139 : memref<1x128x128xf32, #tpu.memory_space<vmem>> -> memref<128x128xf32, #tpu.memory_space<vmem>>
      %dma_wait3A_141 = arith.constant 0 : i32
      %dma_wait3A_142 = tpu.memref_slice %arg6[%add3A_135, %dma_wait3A_141] : memref<40x128xi32, #tpu.memory_space<vmem>> -> memref<1x128xi32, #tpu.memory_space<vmem>>
      %dma_wait3A_143 = tpu.memref_squeeze %dma_wait3A_142 : memref<1x128xi32, #tpu.memory_space<vmem>> -> memref<128xi32, #tpu.memory_space<vmem>>
      %dma_wait3A_144 = arith.constant 0 : i32
      %dma_wait3A_145 = arith.constant 0 : i32
      %dma_wait3A_146 = tpu.memref_slice %arg2[%dma_wait3A_144, %dma_wait3A_145] : memref<10000x128xf32, #tpu.memory_space<hbm>> -> memref<10000x128xf32, #tpu.memory_space<hbm>>
      tpu.wait_indirect_dma semaphore(%arg10 : memref<!tpu.dma_semaphore, #tpu.memory_space<semaphore_mem>>) src(%dma_wait3A_146 : memref<10000x128xf32, #tpu.memory_space<hbm>>) dst(%dma_wait3A_140 : memref<128x128xf32, #tpu.memory_space<vmem>>)
      %run_scoped3A_147 = arith.constant 1 : i32
      "tpu.region"() ({
        %run_scoped3A_156 = tpu.sem_alloc : memref<!tpu.dma_semaphore, #tpu.memory_space<semaphore_mem>>
        %dma_start3A_157 = arith.constant 0 : i32
        %dma_start3A_158 = arith.constant 0 : i32
        %dma_start3A_159 = tpu.memref_slice %arg8[%run_scoped3A_147, %dma_start3A_157, %dma_start3A_158] : memref<2x128x128xf32, #tpu.memory_space<vmem>> -> memref<1x128x128xf32, #tpu.memory_space<vmem>>
        %dma_start3A_160 = tpu.memref_squeeze %dma_start3A_159 : memref<1x128x128xf32, #tpu.memory_space<vmem>> -> memref<128x128xf32, #tpu.memory_space<vmem>>
        %dma_start3A_161 = arith.constant 0 : i32
        %dma_start3A_162 = tpu.memref_slice %arg7[%add3A_135, %dma_start3A_161] : memref<40x128xi32, #tpu.memory_space<vmem>> -> memref<1x128xi32, #tpu.memory_space<vmem>>
        %dma_start3A_163 = tpu.memref_squeeze %dma_start3A_162 : memref<1x128xi32, #tpu.memory_space<vmem>> -> memref<128xi32, #tpu.memory_space<vmem>>
        %dma_start3A_164 = arith.constant 0 : i32
        %dma_start3A_165 = arith.constant 0 : i32
        %dma_start3A_166 = tpu.memref_slice %arg9[%dma_start3A_164, %dma_start3A_165] : memref<10112x128xf32, #tpu.memory_space<vmem_shared>> -> memref<10112x128xf32, #tpu.memory_space<vmem_shared>>
        tpu.enqueue_indirect_dma source(%dma_start3A_160 : memref<128x128xf32, #tpu.memory_space<vmem>>) target(%dma_start3A_166 : memref<10112x128xf32, #tpu.memory_space<vmem_shared>>) offsets(%dma_start3A_163 : memref<128xi32, #tpu.memory_space<vmem>>) semaphore(%run_scoped3A_156 : memref<!tpu.dma_semaphore, #tpu.memory_space<semaphore_mem>>) {add = true}
        %dma_wait3A_167 = arith.constant 0 : i32
        %dma_wait3A_168 = arith.constant 0 : i32
        %dma_wait3A_169 = tpu.memref_slice %arg8[%run_scoped3A_147, %dma_wait3A_167, %dma_wait3A_168] : memref<2x128x128xf32, #tpu.memory_space<vmem>> -> memref<1x128x128xf32, #tpu.memory_space<vmem>>
        %dma_wait3A_170 = tpu.memref_squeeze %dma_wait3A_169 : memref<1x128x128xf32, #tpu.memory_space<vmem>> -> memref<128x128xf32, #tpu.memory_space<vmem>>
        %dma_wait3A_171 = arith.constant 0 : i32
        %dma_wait3A_172 = tpu.memref_slice %arg7[%add3A_135, %dma_wait3A_171] : memref<40x128xi32, #tpu.memory_space<vmem>> -> memref<1x128xi32, #tpu.memory_space<vmem>>
        %dma_wait3A_173 = tpu.memref_squeeze %dma_wait3A_172 : memref<1x128xi32, #tpu.memory_space<vmem>> -> memref<128xi32, #tpu.memory_space<vmem>>
        %dma_wait3A_174 = arith.constant 0 : i32
        %dma_wait3A_175 = arith.constant 0 : i32
        %dma_wait3A_176 = tpu.memref_slice %arg9[%dma_wait3A_174, %dma_wait3A_175] : memref<10112x128xf32, #tpu.memory_space<vmem_shared>> -> memref<10112x128xf32, #tpu.memory_space<vmem_shared>>
        tpu.wait_indirect_dma semaphore(%run_scoped3A_156 : memref<!tpu.dma_semaphore, #tpu.memory_space<semaphore_mem>>) src(%dma_wait3A_170 : memref<128x128xf32, #tpu.memory_space<vmem>>) dst(%dma_wait3A_176 : memref<10112x128xf32, #tpu.memory_space<vmem_shared>>)
        tpu.yield
      }) : () -> ()
      %add3A_148 = arith.constant 2 : i32
      %add3A_149 = arith.addi %add3A_135, %add3A_148 : i32
      %lt3A_150 = arith.constant 40 : i32
      %lt3A_151 = arith.cmpi slt, %add3A_149, %lt3A_150 : i32
      %convert_element_type3A_152 = arith.extui %lt3A_151 : i1 to i32
      %cond3A_153 = arith.constant 0 : i32
      %cond3A_154 = arith.cmpi ne, %convert_element_type3A_152, %cond3A_153 : i32
      scf.if %cond3A_154 {
        %add3A_156 = arith.constant 2 : i32
        %add3A_157 = arith.addi %add3A_135, %add3A_156 : i32
        %dma_start3A_158 = arith.constant 1 : i32
        %dma_start3A_159 = arith.constant 0 : i32
        %dma_start3A_160 = arith.constant 0 : i32
        %dma_start3A_161 = tpu.memref_slice %arg8[%dma_start3A_158, %dma_start3A_159, %dma_start3A_160] : memref<2x128x128xf32, #tpu.memory_space<vmem>> -> memref<1x128x128xf32, #tpu.memory_space<vmem>>
        %dma_start3A_162 = tpu.memref_squeeze %dma_start3A_161 : memref<1x128x128xf32, #tpu.memory_space<vmem>> -> memref<128x128xf32, #tpu.memory_space<vmem>>
        %dma_start3A_163 = arith.constant 0 : i32
        %dma_start3A_164 = tpu.memref_slice %arg6[%add3A_157, %dma_start3A_163] : memref<40x128xi32, #tpu.memory_space<vmem>> -> memref<1x128xi32, #tpu.memory_space<vmem>>
        %dma_start3A_165 = tpu.memref_squeeze %dma_start3A_164 : memref<1x128xi32, #tpu.memory_space<vmem>> -> memref<128xi32, #tpu.memory_space<vmem>>
        %dma_start3A_166 = arith.constant 0 : i32
        %dma_start3A_167 = arith.constant 0 : i32
        %dma_start3A_168 = tpu.memref_slice %arg2[%dma_start3A_166, %dma_start3A_167] : memref<10000x128xf32, #tpu.memory_space<hbm>> -> memref<10000x128xf32, #tpu.memory_space<hbm>>
        tpu.enqueue_indirect_dma source(%dma_start3A_168 : memref<10000x128xf32, #tpu.memory_space<hbm>>) target(%dma_start3A_162 : memref<128x128xf32, #tpu.memory_space<vmem>>) offsets(%dma_start3A_165 : memref<128xi32, #tpu.memory_space<vmem>>) semaphore(%arg10 : memref<!tpu.dma_semaphore, #tpu.memory_space<semaphore_mem>>)
      } else {
      }
      %scan3A_155 = arith.constant 0 : i32
      scf.yield %scan3A_155 : i32
    }
    %scan3A_107 = arith.constant 20 : i32
    %barrier3A_108 = arith.constant 0 : index
    tpu.barrier barrier_id(%barrier3A_108)
    %mul3A_109 = arith.constant 632 : i32
    %mul3A_110 = arith.muli %arg1, %mul3A_109 : i32
    %mul3A_111 = arith.constant 632 : i32
    %mul3A_112 = arith.muli %arg1, %mul3A_111 : i32
    "tpu.region"() ({
      %run_scoped3A_113 = tpu.sem_alloc : memref<!tpu.dma_semaphore, #tpu.memory_space<semaphore_mem>>
      %dma_start3A_114 = arith.constant 0 : i32
      %dma_start3A_115 = tpu.memref_slice %arg5[%arg0, %mul3A_112, %dma_start3A_114] : memref<2x10112x128xf32, #tpu.memory_space<hbm>> -> memref<1x632x128xf32, #tpu.memory_space<hbm>>
      %dma_start3A_116 = tpu.memref_squeeze %dma_start3A_115 : memref<1x632x128xf32, #tpu.memory_space<hbm>> -> memref<632x128xf32, #tpu.memory_space<hbm>>
      %dma_start3A_117 = arith.constant 0 : i32
      %dma_start3A_118 = tpu.memref_slice %arg9[%mul3A_110, %dma_start3A_117] : memref<10112x128xf32, #tpu.memory_space<vmem_shared>> -> memref<632x128xf32, #tpu.memory_space<vmem_shared>>
      tpu.enqueue_dma source(%dma_start3A_118 : memref<632x128xf32, #tpu.memory_space<vmem_shared>>) target(%dma_start3A_116 : memref<632x128xf32, #tpu.memory_space<hbm>>) target_semaphore(%run_scoped3A_113 : memref<!tpu.dma_semaphore, #tpu.memory_space<semaphore_mem>>)
      %dma_wait3A = arith.constant 0 : i32
      %dma_wait3A_119 = tpu.memref_slice %arg5[%arg0, %mul3A_112, %dma_wait3A] : memref<2x10112x128xf32, #tpu.memory_space<hbm>> -> memref<1x632x128xf32, #tpu.memory_space<hbm>>
      %dma_wait3A_120 = tpu.memref_squeeze %dma_wait3A_119 : memref<1x632x128xf32, #tpu.memory_space<hbm>> -> memref<632x128xf32, #tpu.memory_space<hbm>>
      %dma_wait3A_121 = arith.constant 0 : i32
      %dma_wait3A_122 = tpu.memref_slice %arg9[%mul3A_110, %dma_wait3A_121] : memref<10112x128xf32, #tpu.memory_space<vmem_shared>> -> memref<632x128xf32, #tpu.memory_space<vmem_shared>>
      tpu.wait_dma2 semaphore(%run_scoped3A_113 : memref<!tpu.dma_semaphore, #tpu.memory_space<semaphore_mem>>) src(%dma_wait3A_122 : memref<632x128xf32, #tpu.memory_space<vmem_shared>>) dst(%dma_wait3A_120 : memref<632x128xf32, #tpu.memory_space<hbm>>)
      tpu.yield
    }) : () -> ()
    return
  }
}

module attributes {stable_mosaic.version = 14 : i64} {
  func.func @_mm_body(%arg0: i32, %arg1: memref<2x1264x128xf32, #tpu.memory_space<vmem>>, %arg2: memref<128x128xf32, #tpu.memory_space<vmem>>, %arg3: memref<1x128xf32, #tpu.memory_space<vmem>>, %arg4: memref<1264x128xf32, #tpu.memory_space<vmem>>) attributes {dimension_semantics = [#tpu.dimension_semantics<arbitrary>], iteration_bounds = array<i64: 8>, scalar_prefetch = 0 : i64, scratch_operands = 0 : i64, tpu.core_type = #tpu.core_type<tc>, window_params = [{transform_indices = @transform_0, window_bounds = array<i64: 2, 1264, 128>}, {pipeline_mode = #tpu.pipeline_mode<synchronous>, transform_indices = @transform_1, window_bounds = array<i64: 128, 128>}, {pipeline_mode = #tpu.pipeline_mode<synchronous>, transform_indices = @transform_2, window_bounds = array<i64: 1, 128>}, {transform_indices = @transform_3, window_bounds = array<i64: 1264, 128>}]} {
    %get3A = arith.constant 0 : index
    %get3A_0 = arith.constant 0 : index
    %get3A_1 = arith.constant 0 : index
    %get3A_2 = vector.load %arg1[%get3A, %get3A_0, %get3A_1] : memref<2x1264x128xf32, #tpu.memory_space<vmem>>, vector<1x1264x128xf32>
    %get3A_3 = vector.shape_cast %get3A_2 : vector<1x1264x128xf32> to vector<1264x128xf32>
    %get3A_4 = arith.constant 1 : index
    %get3A_5 = arith.constant 0 : index
    %get3A_6 = arith.constant 0 : index
    %get3A_7 = vector.load %arg1[%get3A_4, %get3A_5, %get3A_6] : memref<2x1264x128xf32, #tpu.memory_space<vmem>>, vector<1x1264x128xf32>
    %get3A_8 = vector.shape_cast %get3A_7 : vector<1x1264x128xf32> to vector<1264x128xf32>
    %add3A = arith.addf %get3A_3, %get3A_8 : vector<1264x128xf32>
    %get3A_9 = arith.constant 0 : index
    %get3A_10 = arith.constant 0 : index
    %get3A_11 = vector.load %arg2[%get3A_9, %get3A_10] : memref<128x128xf32, #tpu.memory_space<vmem>>, vector<128x128xf32>
    %dot_general3A = arith.constant dense<0.000000e+00> : vector<1264x128xf32>
    %dot_general3A_12 = tpu.matmul %add3A, %get3A_11, %dot_general3A {dimension_numbers = #tpu.dot_dimension_numbers<[1], [0], [0], [1], [0, 0, 1, 1], [], []>, transpose_lhs_hint = false} : vector<1264x128xf32>, vector<128x128xf32>, vector<1264x128xf32> -> vector<1264x128xf32>
    %get3A_13 = arith.constant 0 : index
    %get3A_14 = arith.constant 0 : index
    %get3A_15 = vector.load %arg3[%get3A_13, %get3A_14] : memref<1x128xf32, #tpu.memory_space<vmem>>, vector<1x128xf32>
    %add3A_16 = vector.broadcast %get3A_15 : vector<1x128xf32> to vector<1264x128xf32>
    %add3A_17 = arith.addf %dot_general3A_12, %add3A_16 : vector<1264x128xf32>
    %swap3A = arith.constant 0 : index
    %swap3A_18 = arith.constant 0 : index
    %swap3A_19 = vector.load %arg4[%swap3A, %swap3A_18] : memref<1264x128xf32, #tpu.memory_space<vmem>>, vector<1264x128xf32>
    tpu.vector_store %arg4[%swap3A, %swap3A_18], %add3A_17 {strides = array<i32>} : memref<1264x128xf32, #tpu.memory_space<vmem>>, vector<1264x128xf32>,
    return
  }
  func.func @transform_0(%arg0: i32) -> (i32, i32, i32) {
    %c0_i32 = arith.constant 0 : i32
    %c0_i32_0 = arith.constant 0 : i32
    %c0_i32_1 = arith.constant 0 : i32
    return %c0_i32, %arg0, %c0_i32_0 : i32, i32, i32
  }
  func.func @transform_1(%arg0: i32) -> (i32, i32) {
    %c0_i32 = arith.constant 0 : i32
    %c0_i32_0 = arith.constant 0 : i32
    %c0_i32_1 = arith.constant 0 : i32
    return %c0_i32, %c0_i32_0 : i32, i32
  }
  func.func @transform_2(%arg0: i32) -> (i32, i32) {
    %c0_i32 = arith.constant 0 : i32
    %c0_i32_0 = arith.constant 0 : i32
    %c0_i32_1 = arith.constant 0 : i32
    return %c0_i32, %c0_i32_0 : i32, i32
  }
  func.func @transform_3(%arg0: i32) -> (i32, i32) {
    %c0_i32 = arith.constant 0 : i32
    %c0_i32_0 = arith.constant 0 : i32
    return %arg0, %c0_i32 : i32, i32
  }
}

</mosaic_0001>

<sc_bundles>
// kernel: kernel.4.cloned.1.call-start
scs
__scs_entry_jumppad:
0x0: {  	(pc) =	sbr.rel $0x88, $3  }
0x1: {  	(tag) =	ssettag $0x0;
	lr =	simm.s32 $0x1  }
0x2: {  	[smem:$0x3F9D] =	sst lr;
	_ =	strace $0xD0000000  }
0x3: {  	_ = 	snop  }
0x4: {  	_ = 	snop  }
0x5: {  	_ = 	snop  }
0x6: {  	_ = 	snop  }
0x7: {  	_ = 	snop  }
__scs_overlays_trampoline_lowered:
0x8: {  	[smem:$0x3FAC] =	sst s0  }
0x9: {  	[smem:$0x3FAD] =	sst s1  }
0xa: {  	[smem:$0x3FAE] =	sst s2  }
0xb: {  	[smem:$0x3FAF] =	sst s3  }
0xc: {  	[smem:$0x3FB0] =	sst s4  }
0xd: {  	[smem:$0x3FB1] =	sst s5  }
0xe: {  	[smem:$0x3FB2] =	sst s6  }
0xf: {  	[smem:$0x3FB3] =	sst s7  }
0x10: {  	[smem:$0x3FB4] =	sst s8  }
0x11: {  	[smem:$0x3FB5] =	sst s9;
	s0 =	simm.s32 @!p0 $0x0  }
0x12: {  	s1 =	sld [smem:$0x3F9B];
	s0 =	simm.s32 @p0 $0x1  }
0x13: {  	[smem:$0x3FB6] =	sst s0;
	s0 =	simm.s32 @!p1 $0x0  }
0x14: {  	s2 =	sld [smem:$0x3F9A];
	s0 =	simm.s32 @p1 $0x1  }
0x15: {  	[smem:$0x3FB7] =	sst s0;
	s0 =	simm.s32 @!p2 $0x0  }
0x16: {  	s3 =	sld [smem:$0x3FDB];
	s0 =	simm.s32 @p2 $0x1  }
0x17: {  	s4 =	simm.s32 $0x1BF5;
	[smem:$0x3FB9] =	sst s0  }
0x18: {  	s0 =	sld [smem:$0x3F9C];
	_ =	swait.ge [sflag:s4], $0x0  }
0x19: {  	s7 =	sld [smem:$0x3F9D]  }
0x1a: {  	s8 =	sadd.s32 $0xFFFFE003, lr  }
0x1b: {  	s9 =	sadd.s32 $0xFFFFFEF7, lr;
	s5 =	simm.s32 $0xFFFFFFFF;
	p2 =	slt.u32 s8, $0xFFFFF086  }
0x1c: {  	p1 =	slt.u32 s9, $0xF7A;
	s5 =	simm.s32 @!p2 $0x0  }
0x1d: {  	s5 =	simm.s32 @p1 $0x1;
	p0 =	seq.s32 s7, s2  }
0x1e: {  	s7 =	smul.u32 @!p0 $0xF7A, s2;
	p2 =	seq.s32 @!p0 s5, $0x0  }
0x1f: {  	s9 =	smul.u32 $0xF7A, s1;
	s8 =	simm.s32 @!p0 $0x1BF5;
	p2 =	por !p2, p0  }
0x20: {  	[sflag:s8] =	ssyncset.s32 @!p0 $0xFFFFF086;
	s6 =	sadd.s32 @!p0 s3, s7;
	s7 =	simm.s32 @!p0 $0x108  }
0x21: {  	s3 =	sadd.s32 s3, s9;
	s6 =	sadd.s32 @!p0 $0x88, s6;
	s7 =	simm.s32 @p2 $0x1082  }
0x22: {  	[simem:s7], [sflag:s8] =	dma.local @!p0 [hbm:s6], $0xF7A  }
0x23: {  	s9 =	sor.u32 $0xD0000000, s2;
	s6 =	simm.s32 $0x108;
	_ =	swait.ge @!p0 [sflag:s8], $0x0  }
0x24: {  	s3 =	sadd.s32 $0x88, s3;
	s6 =	simm.s32 @!p1 $0x1082;
	[sflag:s4] =	ssyncset.s32 $0xFFFFF086  }
0x25: {  	[simem:s6], [sflag:s4] =	dma.local [hbm:s3], $0xF7A  }
0x26: {  	[smem:$0x3F9D] =	sst s1;
	(tag) =	ssettag s2;
	_ =	strace s9  }
0x27: {  	s1 =	sld [smem:$0x3FAD]  }
0x28: {  	s2 =	sld [smem:$0x3FAE]  }
0x29: {  	s4 =	sld [smem:$0x3FB0]  }
0x2a: {  	p0 =	seq.s32 s5, $0x0;
	s5 =	sld [smem:$0x3FB1]  }
0x2b: {  	s6 =	sld [smem:$0x3FB2]  }
0x2c: {  	s7 =	sld [smem:$0x3FB3]  }
0x2d: {  	s3 =	simm.s32 $0x108;
	s8 =	sld [smem:$0x3FB4]  }
0x2e: {  	s3 =	simm.s32 @!p0 $0x1082;
	s9 =	sld [smem:$0x3FB5]  }
0x2f: {  	lr =	sadd.s32 s0, s3;
	s0 =	sld [smem:$0x3FAC]  }
0x30: {  	s3 =	sld [smem:$0x3FAF]  }
0x31: {  	[smem:$0x3FB8] =	sst s10  }
0x32: {  	s10 =	sld [smem:$0x3FB6];
	_ =	sdelay $0x3  }
0x33: {  	p0 =	seq.s32 s10, $0x1;
	s10 =	sld [smem:$0x3FB8];
	_ =	sdelay $0x3  }
0x34: {  	[smem:$0x3FB8] =	sst s10  }
0x35: {  	s10 =	sld [smem:$0x3FB7];
	_ =	sdelay $0x3  }
0x36: {  	p1 =	seq.s32 s10, $0x1;
	s10 =	sld [smem:$0x3FB8];
	_ =	sdelay $0x3  }
0x37: {  	[smem:$0x3FB8] =	sst s10  }
0x38: {  	s10 =	sld [smem:$0x3FB9]  }
0x39: {  	_ = 	snop;
	(pc) =	sbr.ind lr, $3  }
0x3a: {  	_ = 	snop  }
0x3b: {  	_ = 	snop  }
0x3c: {  	p2 =	seq.s32 s10, $0x1;
	s10 =	sld [smem:$0x3FB8]  }
0x3d: {  	_ =	shalt  }
0x3e: {  	_ =	shalt  }
0x3f: {  	_ =	shalt  }
0x40: {  	_ =	shalt  }
0x41: {  	_ =	shalt  }
0x42: {  	_ =	shalt  }
0x43: {  	_ =	shalt  }
0x44: {  	_ =	shalt  }
0x45: {  	_ =	shalt  }
0x46: {  	_ =	shalt  }
0x47: {  	_ =	shalt  }
0x48: {  	_ =	shalt  }
0x49: {  	_ =	shalt  }
0x4a: {  	_ =	shalt  }
0x4b: {  	_ =	shalt  }
0x4c: {  	_ =	shalt  }
0x4d: {  	_ =	shalt  }
0x4e: {  	_ =	shalt  }
0x4f: {  	_ =	shalt  }
0x50: {  	_ =	shalt  }
0x51: {  	_ =	shalt  }
0x52: {  	_ =	shalt  }
0x53: {  	_ =	shalt  }
0x54: {  	_ =	shalt  }
0x55: {  	_ =	shalt  }
0x56: {  	_ =	shalt  }
0x57: {  	_ =	shalt  }
0x58: {  	_ =	shalt  }
0x59: {  	_ =	shalt  }
0x5a: {  	_ =	shalt  }
0x5b: {  	_ =	shalt  }
0x5c: {  	_ =	shalt  }
0x5d: {  	_ =	shalt  }
0x5e: {  	_ =	shalt  }
0x5f: {  	_ =	shalt  }
0x60: {  	_ =	shalt  }
0x61: {  	_ =	shalt  }
0x62: {  	_ =	shalt  }
0x63: {  	_ =	shalt  }
0x64: {  	_ =	shalt  }
0x65: {  	_ =	shalt  }
0x66: {  	_ =	shalt  }
0x67: {  	_ =	shalt  }
0x68: {  	_ =	shalt  }
0x69: {  	_ =	shalt  }
0x6a: {  	_ =	shalt  }
0x6b: {  	_ =	shalt  }
0x6c: {  	_ =	shalt  }
0x6d: {  	_ =	shalt  }
0x6e: {  	_ =	shalt  }
0x6f: {  	_ =	shalt  }
0x70: {  	_ =	shalt  }
0x71: {  	_ =	shalt  }
0x72: {  	_ =	shalt  }
0x73: {  	_ =	shalt  }
0x74: {  	_ =	shalt  }
0x75: {  	_ =	shalt  }
0x76: {  	_ =	shalt  }
0x77: {  	_ =	shalt  }
0x78: {  	_ =	shalt  }
0x79: {  	_ =	shalt  }
0x7a: {  	_ =	shalt  }
0x7b: {  	_ =	shalt  }
0x7c: {  	_ =	shalt  }
0x7d: {  	_ =	shalt  }
0x7e: {  	_ =	shalt  }
0x7f: {  	_ =	shalt  }
0x80: {  	_ =	shalt  }
0x81: {  	_ =	shalt  }
0x82: {  	_ =	shalt  }
0x83: {  	_ =	shalt  }
0x84: {  	_ =	shalt  }
0x85: {  	_ =	shalt  }
0x86: {  	_ =	shalt  }
0x87: {  	_ =	shalt  }
.Lfunc_end0:
.L_simem_size_0:
called_computation_lowered:
.L_overlay_start_0:
0x88: {  	s2 =	sld [smem:$0x3FD9]  }
0x89: {  	s3 =	sld [smem:$0x3FFE];
	_ =	sdelay $0x1  }
0x8a: {  	s1 =	srdreg.scid  }
0x8b: {  	s0 =	sand.u32 $0x1, s1  }
0x8c: {  	s17 =	sshll.u32 s0, $0xA;
	s2 =	sadd.s32 s3, s2  }
0x8d: {  	s2 =	sadd.s32 s2, s17  }
0x8e: {  	[smem:$0x3FC4] =	sst s2  }
0x8f: {  	_ = 	snop  }
0x90: {  	s2 =	sld [smem:$0x3FC9]  }
0x91: {  	s18 =	sld [smem:$0x3FD0];
	(tm) =	ssettm $0x1  }
0x92: {  	s4 =	sld [smem:$0x3FFB];
	_ =	sdelay $0x3  }
0x93: {  	_ =	strace s4  }
0x94: {  	s4 =	sld [smem:$0x3FFC];
	_ =	sdelay $0x3  }
0x95: {  	_ =	strace s4  }
0x96: {  	s4 =	sld [smem:$0x3FFD];
	_ =	sdelay $0x3  }
0x97: {  	_ =	strace s4  }
0x98: {  	_ =	strace $0x8FFFFFFF  }
0x99: {  	s19 =	sld [smem:$0x3FDB];
	_ =	sdelay $0x1  }
0x9a: {  	s5 =	simm.s32 $_scs_section_size  }
0x9b: {  	s6 =	simm.s32 $_size__tile_overlayer_lowered;
	s7 =	simm.s32 $_tile_overlayer_lowered  }
0x9c: {  	s22 =	simm.s32 $0x1BFF;
	s21 =	sshll.u32 s7, $0x1;
	s4 =	sadd.s32 s5, s19  }
0x9d: {  	s8 =	simm.s32 $0x0;
	s20 =	sshll.u32 s6, $0x1;
	s6 =	sadd.s32 s21, s4  }
0x9e: {  	[timem:s8], [sflag:s22] =	dma.local [hbm:s6], s20  }
0x9f: {  	_ =	swait.ge [sflag:s22], s20  }
0xa0: {  	s5 =	ssub.s32 $0x0, s20;
	[sflag:s22] =	ssyncset.done $0x0  }
0xa1: {  	[sflag:s22] =	ssyncadd.s32 s5;
	_ =	sdelay $0x1  }
0xa2: {  	s23 =	simm.s32 $0x1B8B  }
0xa3: {  	_ =	swait.ge [sflag:s23], $0x1  }
0xa4: {  	[sflag:s23] =	ssyncset.done $0x0  }
0xa5: {  	s25 =	simm.s32 $0x1B8E;
	s24 =	sld [smem:$0x3FFE];
	[sflag:s23] =	ssyncadd.s32 $0xFFFFFFFF  }
0xa6: {  	s26 =	simm.s32 $execute0_lowered;
	[smem:$0x3FD2] =	sst s25  }
0xa7: {  	s6 =	sshll.u32 s26, $0x1;
	_ =	strace $0x80000046;
	[dreg:$0x1] =	wrdreg $0xFFFFFFFF  }
0xa8: {  	s28 =	simm.s32 $_size_execute0_lowered;
	s4 =	sadd.s32 s4, s6;
	[dreg:$0x0] =	wrdreg $0x0  }
0xa9: {  	s6 =	sshll.u32 s28, $0x1;
	[dreg:$0x2] =	wrdreg s4  }
0xaa: {  	[dreg:$0x3] =	wrdreg s6  }
0xab: {  	[dreg:$0x4] =	wrdreg $0xC0  }
0xac: {  	_ =	task [dreg:s8], $0x5FFFF  }
0xad: {  	[dreg:$0x1] =	wrdreg $0xFFFFFFFF  }
0xae: {  	[dreg:$0x0] =	wrdreg $0x60  }
0xaf: {  	[dreg:$0x2] =	wrdreg s2  }
0xb0: {  	[dreg:$0x3] =	wrdreg s18  }
0xb1: {  	[dreg:$0x4] =	wrdreg s24  }
0xb2: {  	[dreg:$0x5] =	wrdreg $0xA8000  }
0xb3: {  	[dreg:$0x6] =	wrdreg $0x9  }
0xb4: {  	_ =	task.clear_ibuf [dreg:s8], $0x7FFFF;
	_ =	strace $0x90000046  }
0xb5: {  	s29 =	simm.s32 $0x9;
	_ =	strace $0x80000048  }
0xb6: {  	_ =	swait.ge [sflag:s29], $0x1  }
0xb7: {  	[sflag:s29] =	ssyncadd.s32 $0xFFFFFFFF  }
0xb8: {  	_ =	strace $0x90000048  }
0xb9: {  	_ =	sfence  }
0xba: {  	s30 =	sld [smem:$0x0];
	_ =	sdelay $0x2  }
0xbb: {  	s31 =	sshll.u32 s1, $0xD;
	s1 =	sshrl.u32 s1, $0x2  }
0xbc: {  	s3 =	sand.u32 $0x4000, s31;
	s1 =	sadd.s32 s1, s30  }
0xbd: {  	s0 =	sor.u32 s3, s0;
	s1 =	sshll.u32 s1, $0x11  }
0xbe: {  	s0 =	sor.u32 s1, s0  }
0xbf: {  	s0 =	sadd.s32 $0x8F2B, s0  }
0xc0: {  	[sflag:s0] =	ssyncadd.remote.s32 $0x1  }
0xc1: {  	_ =	sfence.sel $0xFFFF  }
0xc2: {  	[dreg:$0x0] =	wrdreg $0xFFFFFFFF;
	(pc) =	sbr.abs _section_cstart, $3  }
0xc3: {  	[dreg:$0x1] =	wrdreg $0xFFFFFFFF  }
0xc4: {  	_ =	task.clear_ibuf [dreg:s8], $0x2FFFF;
	_ =	strace $0x9FFFFFFF  }
0xc5: {  	(tm) =	ssettm $0x7FFFFFFF  }
tec
execute0_lowered:
.L_overlay_start_1:
0x0: {  	(tag) =	ssettag $0x1  }
0x1: {  	s0 =	rddreg [dreg:$0x0]  }
0x2: {  	s12 =	rddreg [dreg:$0x1]  }
0x3: {  	s5 =	rddreg [dreg:$0x2]  }
0x4: {  	s1 =	srdreg.scid;
	s3 =	rddreg [dreg:$0x3]  }
0x5: {  	s2 =	stileid.u32;
	s4 =	simm.s32 $0x0;
	s18 =	simm.s32 $0x1400  }
0x6: {  	s19 =	simm.s32 $0x80;
	s20 =	simm.s32 $0x6800;
	s21 =	simm.s32 $0x1  }
0x7: {  	s22 =	simm.s32 $0x2700;
	s6 =	sand.u32 $0x1, s1;
	s1 =	rddreg [dreg:$0x4]  }
0x8: {  	s23 =	simm.s32 $0x2780;
	s8 =	smul.u32 $0x13C00, s2;
	[smem:$0x7FF] =	sst s4  }
0x9: {  	s13 =	sadd.s32 $0x200, s5;
	s26 =	smul.u32 $0x4F000, s2;
	s29 =	sshll.u32 s2, $0x1  }
0xa: {  	s7 =	smul.u32 $0x13C000, s6;
	s28 =	ssub.s32 $0x2, s6;
	s10 =	sor.u32 s6, s29  }
0xb: {  	_ =	strace $0x80000047;
	s9 =	sshrl.u32 s28, $0x1;
	s11 =	smul.u32 $0x2800, s10  }
0xc: {  	s30 =	sshrl.u32 s26, $0x2;
	s16 =	smul.u32 $0x500, s10;
	s7 =	sadd.s32 s8, s7  }
0xd: {  	s15 =	ssub.s32 s28, s9;
	s7 =	sshrl.u32 s7, $0x3;
	s17 =	sshrl.u32 s11, $0x3  }
0xe: {  	s10 =	sadd.s32 s12, s16;
	s11 =	sadd.s32 s13, s16;
	s15 =	smax.u32 s15, $0x1  }
0xf: {  	s16 =	simm.s32 $0x2800;
	s14 =	sadd.s32 s7, s5;
	s5 =	sadd.s32 s30, s3  }
0x10: {  	s31 =	sadd.s32 $0x280, s17;
	s17 =	simm.s32 $0x2;
	s6 =	sadd.s32 $0x4000, s5  }
0x11: {  	s7 =	sadd.s32 $0x8000, s5;
	s8 =	sadd.s32 $0xC000, s5;
	s9 =	sadd.s32 $0x10000, s5  }
0x12: {  	v0 =	vimm.f32 $0.0e+00;
	s12 =	sadd.s32 s12, s31;
	s13 =	sadd.s32 s13, s31;
	s14 =	sadd.s32 $0xA200, s14  }
.LBB2_1:
0x13: {  	s24 =	simm.s32 $0x0;
	s25 =	simm.s32 $0x200  }
.LBB2_2:
0x14: {  	p0 =	sne.s32 s25, $0xFE00;
	[tilespmem:s24+$0x2870] =	vst v0  }
0x15: {  	[tilespmem:s24+$0x2800] =	vst v0  }
0x16: {  	[tilespmem:s24+$0x2810] =	vst v0  }
.Ltmp0:
0x17: {  	[tilespmem:s24+$0x2820] =	vst v0;
	(pc) =	sbr.rel @p0 .LBB2_2-.Ltmp0, $4  }
0x18: {  	[tilespmem:s24+$0x2830] =	vst v0  }
0x19: {  	[tilespmem:s24+$0x2840] =	vst v0  }
0x1a: {  	[tilespmem:s24+$0x2850] =	vst v0  }
0x1b: {  	[tilespmem:s24+$0x2860] =	vst v0;
	s24 =	sshra.s32 s25, $0x2;
	s25 =	sadd.s32 $0x200, s25  }
0x1c: {  	[tilespmem:s24+$0x2870] =	vst v0  }
0x1d: {  	[tilespmem:s24+$0x2800] =	vst v0  }
0x1e: {  	[tilespmem:s24+$0x2810] =	vst v0  }
0x1f: {  	[tilespmem:s24+$0x2820] =	vst v0  }
0x20: {  	[tilespmem:s24+$0x2830] =	vst v0  }
0x21: {  	[tilespmem:s24+$0x2840] =	vst v0  }
0x22: {  	[tilespmem:s24+$0x2850] =	vst v0  }
0x23: {  	[tilespmem:s24+$0x2860] =	vst v0  }
0x24: {  	[spmem:s5] =	stream.linear.scatter [tilespmem:s16], [sflag:$0x2], $0x4000, $0x38;
	[tilespmem:$0x1E400] =	vst v63  }
0x25: {  	_ =	swait.ge [sflag:s17], $0x4000  }
0x26: {  	[sflag:s17] =	ssyncset.done $0x0  }
0x27: {  	[sflag:s17] =	ssyncadd.s32 $0xFFFFC000  }
0x28: {  	[spmem:s6] =	stream.linear.scatter [tilespmem:s16], [sflag:$0x2], $0x4000, $0x38;
	[tilespmem:$0x1E400] =	vst v63  }
0x29: {  	_ =	swait.ge [sflag:s17], $0x4000  }
0x2a: {  	[sflag:s17] =	ssyncset.done $0x0  }
0x2b: {  	[sflag:s17] =	ssyncadd.s32 $0xFFFFC000  }
0x2c: {  	[spmem:s7] =	stream.linear.scatter [tilespmem:s16], [sflag:$0x2], $0x4000, $0x38;
	[tilespmem:$0x1E400] =	vst v63  }
0x2d: {  	_ =	swait.ge [sflag:s17], $0x4000  }
0x2e: {  	[sflag:s17] =	ssyncset.done $0x0  }
0x2f: {  	[sflag:s17] =	ssyncadd.s32 $0xFFFFC000  }
0x30: {  	[spmem:s8] =	stream.linear.scatter [tilespmem:s16], [sflag:$0x2], $0x4000, $0x38;
	[tilespmem:$0x1E400] =	vst v63  }
0x31: {  	_ =	swait.ge [sflag:s17], $0x4000  }
0x32: {  	[sflag:s17] =	ssyncset.done $0x0  }
0x33: {  	[sflag:s17] =	ssyncadd.s32 $0xFFFFC000  }
0x34: {  	[spmem:s9] =	stream.linear.scatter [tilespmem:s16], [sflag:$0x2], $0x3C00, $0x38;
	[tilespmem:$0x1E400] =	vst v63  }
0x35: {  	_ =	swait.ge [sflag:s17], $0x3C00  }
0x36: {  	[sflag:s17] =	ssyncset.done $0x0  }
0x37: {  	[sflag:s17] =	ssyncadd.s32 $0xFFFFC400  }
0x38: {  	s28 =	simm.s32 $0x0;
	[bflag:$0x0] =	sbarrier.arrive $0xFFFF  }
0x39: {  	[tilespmem:s28], [sflag:$0x2] =	stream.linear.gather [hbm4b:s10+s28], $0x1400, $0x38;
	[tilespmem:$0x1E400] =	vst v63  }
0x3a: {  	_ =	swait.ge [sflag:s17], $0x1400  }
0x3b: {  	[sflag:s17] =	ssyncset.done $0x0  }
0x3c: {  	[sflag:s17] =	ssyncadd.s32 $0xFFFFEC00  }
0x3d: {  	[tilespmem:s18], [sflag:$0x2] =	stream.linear.gather [hbm4b:s11+s28], $0x1400, $0x38;
	[tilespmem:$0x1E400] =	vst v63  }
0x3e: {  	_ =	swait.ge [sflag:s17], $0x1400  }
0x3f: {  	[sflag:s17] =	ssyncset.done $0x0  }
0x40: {  	[sflag:s17] =	ssyncadd.s32 $0xFFFFEC00  }
0x41: {  	[tilespmem:s16], [sflag:$0x1] =	stream.indirect.gather [hbm4b:s0+s19], $0x80, s28, s19, $0xb8;
	[tilespmem:$0x1E400] =	vst v63  }
0x42: {  	_ = 	snop  }
0x43: {  	[tilespmem:s20], [sflag:$0x1] =	stream.indirect.gather [hbm4b:s0+s19], $0x80, s19, s19, $0xb8;
	[tilespmem:$0x1E400] =	vst v63  }
0x44: {  	_ =	swait.ge [sflag:s21], $0x4000  }
0x45: {  	[sflag:s21] =	ssyncset.done $0x0  }
0x46: {  	s29 =	simm.s32 $0x1400;
	[sflag:s21] =	ssyncadd.s32 $0xFFFFC000  }
0x47: {  	[spmem:s3] =	stream.indirect.scatter.add.f32 [tilespmem:s16], [sflag:$0x2], $0x80, s29, s19, $0xb8;
	[tilespmem:$0x1E400] =	vst v63  }
0x48: {  	_ =	swait.ge [sflag:s17], $0x4000  }
0x49: {  	[sflag:s17] =	ssyncset.done $0x0  }
0x4a: {  	s30 =	simm.s32 $0x100;
	[sflag:s17] =	ssyncadd.s32 $0xFFFFC000  }
0x4b: {  	[tilespmem:s16], [sflag:$0x1] =	stream.indirect.gather [hbm4b:s0+s19], $0x80, s30, s19, $0xb8;
	[tilespmem:$0x1E400] =	vst v63  }
0x4c: {  	_ =	swait.ge [sflag:s21], $0x4000  }
0x4d: {  	[sflag:s21] =	ssyncset.done $0x0  }
0x4e: {  	s31 =	simm.s32 $0x1480;
	[sflag:s21] =	ssyncadd.s32 $0xFFFFC000  }
0x4f: {  	[spmem:s3] =	stream.indirect.scatter.add.f32 [tilespmem:s20], [sflag:$0x2], $0x80, s31, s19, $0xb8;
	[tilespmem:$0x1E400] =	vst v63  }
0x50: {  	_ =	swait.ge [sflag:s17], $0x4000  }
0x51: {  	[sflag:s17] =	ssyncset.done $0x0  }
0x52: {  	s24 =	simm.s32 $0x400;
	s25 =	simm.s32 $0x180;
	[sflag:s17] =	ssyncadd.s32 $0xFFFFC000  }
.LBB2_4:
0x53: {  	[tilespmem:s20], [sflag:$0x1] =	stream.indirect.gather [hbm4b:s0+s19], $0x80, s25, s19, $0xb8;
	[tilespmem:$0x1E400] =	vst v63  }
0x54: {  	s25 =	smov.u32 s24  }
0x55: {  	p0 =	sne.s32 s24, $0x4800;
	s24 =	sadd.s32 $0x400, s24;
	_ =	swait.ge [sflag:s21], $0x4000  }
0x56: {  	s25 =	sshra.s32 s25, $0x2;
	[sflag:s21] =	ssyncset.done $0x0  }
0x57: {  	s26 =	sadd.s32 $0x1400, s25;
	[sflag:s21] =	ssyncadd.s32 $0xFFFFC000  }
0x58: {  	[spmem:s3] =	stream.indirect.scatter.add.f32 [tilespmem:s16], [sflag:$0x2], $0x80, s26, s19, $0xb8;
	[tilespmem:$0x1E400] =	vst v63  }
0x59: {  	_ =	swait.ge [sflag:s17], $0x4000  }
0x5a: {  	[sflag:s17] =	ssyncset.done $0x0  }
0x5b: {  	s26 =	sadd.s32 $0x100, s25;
	[sflag:s17] =	ssyncadd.s32 $0xFFFFC000  }
0x5c: {  	[tilespmem:s16], [sflag:$0x1] =	stream.indirect.gather [hbm4b:s0+s19], $0x80, s26, s19, $0xb8;
	[tilespmem:$0x1E400] =	vst v63  }
0x5d: {  	_ =	swait.ge [sflag:s21], $0x4000  }
0x5e: {  	[sflag:s21] =	ssyncset.done $0x0  }
.Ltmp1:
0x5f: {  	s26 =	sadd.s32 $0x1480, s25;
	[sflag:s21] =	ssyncadd.s32 $0xFFFFC000;
	(pc) =	sbr.rel @p0 .LBB2_4-.Ltmp1, $4  }
0x60: {  	[spmem:s3] =	stream.indirect.scatter.add.f32 [tilespmem:s20], [sflag:$0x2], $0x80, s26, s19, $0xb8;
	[tilespmem:$0x1E400] =	vst v63  }
0x61: {  	_ =	swait.ge [sflag:s17], $0x4000  }
0x62: {  	[sflag:s17] =	ssyncset.done $0x0  }
0x63: {  	s25 =	sadd.s32 $0x180, s25;
	[sflag:s17] =	ssyncadd.s32 $0xFFFFC000  }
0x64: {  	[tilespmem:s20], [sflag:$0x1] =	stream.indirect.gather [hbm4b:s0+s19], $0x80, s25, s19, $0xb8;
	[tilespmem:$0x1E400] =	vst v63  }
0x65: {  	_ =	swait.ge [sflag:s21], $0x4000  }
0x66: {  	[sflag:s21] =	ssyncset.done $0x0  }
0x67: {  	[sflag:s21] =	ssyncadd.s32 $0xFFFFC000  }
0x68: {  	[spmem:s3] =	stream.indirect.scatter.add.f32 [tilespmem:s16], [sflag:$0x2], $0x80, s22, s19, $0xb8;
	[tilespmem:$0x1E400] =	vst v63  }
0x69: {  	_ =	swait.ge [sflag:s17], $0x4000  }
0x6a: {  	[sflag:s17] =	ssyncset.done $0x0  }
0x6b: {  	[sflag:s17] =	ssyncadd.s32 $0xFFFFC000  }
0x6c: {  	_ =	swait.ge [sflag:s21], $0x4000  }
0x6d: {  	[sflag:s21] =	ssyncset.done $0x0  }
0x6e: {  	[sflag:s21] =	ssyncadd.s32 $0xFFFFC000  }
0x6f: {  	[spmem:s3] =	stream.indirect.scatter.add.f32 [tilespmem:s20], [sflag:$0x2], $0x80, s23, s19, $0xb8;
	[tilespmem:$0x1E400] =	vst v63  }
0x70: {  	_ =	swait.ge [sflag:s17], $0x4000  }
0x71: {  	[sflag:s17] =	ssyncset.done $0x0  }
0x72: {  	s24 =	simm.s32 $0x0;
	[sflag:s17] =	ssyncadd.s32 $0xFFFFC000  }
0x73: {  	[tilespmem:s24], [sflag:$0x2] =	stream.linear.gather [hbm4b:s12+s24], $0x1400, $0x38;
	[tilespmem:$0x1E400] =	vst v63  }
0x74: {  	_ =	swait.ge [sflag:s17], $0x1400  }
0x75: {  	[sflag:s17] =	ssyncset.done $0x0  }
0x76: {  	[sflag:s17] =	ssyncadd.s32 $0xFFFFEC00  }
0x77: {  	[tilespmem:s18], [sflag:$0x2] =	stream.linear.gather [hbm4b:s13+s24], $0x1400, $0x38;
	[tilespmem:$0x1E400] =	vst v63  }
0x78: {  	_ =	swait.ge [sflag:s17], $0x1400  }
0x79: {  	[sflag:s17] =	ssyncset.done $0x0  }
0x7a: {  	[sflag:s17] =	ssyncadd.s32 $0xFFFFEC00  }
0x7b: {  	[tilespmem:s16], [sflag:$0x1] =	stream.indirect.gather [hbm4b:s0+s19], $0x80, s24, s19, $0xb8;
	[tilespmem:$0x1E400] =	vst v63  }
0x7c: {  	_ = 	snop  }
0x7d: {  	[tilespmem:s20], [sflag:$0x1] =	stream.indirect.gather [hbm4b:s0+s19], $0x80, s19, s19, $0xb8;
	[tilespmem:$0x1E400] =	vst v63  }
0x7e: {  	_ =	swait.ge [sflag:s21], $0x4000  }
0x7f: {  	[sflag:s21] =	ssyncset.done $0x0  }
0x80: {  	s29 =	simm.s32 $0x1400;
	[sflag:s21] =	ssyncadd.s32 $0xFFFFC000  }
0x81: {  	[spmem:s3] =	stream.indirect.scatter.add.f32 [tilespmem:s16], [sflag:$0x2], $0x80, s29, s19, $0xb8;
	[tilespmem:$0x1E400] =	vst v63  }
0x82: {  	_ =	swait.ge [sflag:s17], $0x4000  }
0x83: {  	[sflag:s17] =	ssyncset.done $0x0  }
0x84: {  	s30 =	simm.s32 $0x100;
	[sflag:s17] =	ssyncadd.s32 $0xFFFFC000  }
0x85: {  	[tilespmem:s16], [sflag:$0x1] =	stream.indirect.gather [hbm4b:s0+s19], $0x80, s30, s19, $0xb8;
	[tilespmem:$0x1E400] =	vst v63  }
0x86: {  	_ =	swait.ge [sflag:s21], $0x4000  }
0x87: {  	[sflag:s21] =	ssyncset.done $0x0  }
0x88: {  	s31 =	simm.s32 $0x1480;
	[sflag:s21] =	ssyncadd.s32 $0xFFFFC000  }
0x89: {  	[spmem:s3] =	stream.indirect.scatter.add.f32 [tilespmem:s20], [sflag:$0x2], $0x80, s31, s19, $0xb8;
	[tilespmem:$0x1E400] =	vst v63  }
0x8a: {  	_ =	swait.ge [sflag:s17], $0x4000  }
0x8b: {  	[sflag:s17] =	ssyncset.done $0x0  }
0x8c: {  	s25 =	simm.s32 $0x180;
	s24 =	simm.s32 $0x400;
	[sflag:s17] =	ssyncadd.s32 $0xFFFFC000  }
.LBB2_6:
0x8d: {  	[tilespmem:s20], [sflag:$0x1] =	stream.indirect.gather [hbm4b:s0+s19], $0x80, s25, s19, $0xb8;
	[tilespmem:$0x1E400] =	vst v63  }
0x8e: {  	s25 =	smov.u32 s24  }
0x8f: {  	p0 =	sne.s32 s24, $0x4800;
	s24 =	sadd.s32 $0x400, s24;
	_ =	swait.ge [sflag:s21], $0x4000  }
0x90: {  	s25 =	sshra.s32 s25, $0x2;
	[sflag:s21] =	ssyncset.done $0x0  }
0x91: {  	s26 =	sadd.s32 $0x1400, s25;
	[sflag:s21] =	ssyncadd.s32 $0xFFFFC000  }
0x92: {  	[spmem:s3] =	stream.indirect.scatter.add.f32 [tilespmem:s16], [sflag:$0x2], $0x80, s26, s19, $0xb8;
	[tilespmem:$0x1E400] =	vst v63  }
0x93: {  	_ =	swait.ge [sflag:s17], $0x4000  }
0x94: {  	[sflag:s17] =	ssyncset.done $0x0  }
0x95: {  	s26 =	sadd.s32 $0x100, s25;
	[sflag:s17] =	ssyncadd.s32 $0xFFFFC000  }
0x96: {  	[tilespmem:s16], [sflag:$0x1] =	stream.indirect.gather [hbm4b:s0+s19], $0x80, s26, s19, $0xb8;
	[tilespmem:$0x1E400] =	vst v63  }
0x97: {  	_ =	swait.ge [sflag:s21], $0x4000  }
0x98: {  	[sflag:s21] =	ssyncset.done $0x0  }
.Ltmp2:
0x99: {  	s26 =	sadd.s32 $0x1480, s25;
	[sflag:s21] =	ssyncadd.s32 $0xFFFFC000;
	(pc) =	sbr.rel @p0 .LBB2_6-.Ltmp2, $4  }
0x9a: {  	[spmem:s3] =	stream.indirect.scatter.add.f32 [tilespmem:s20], [sflag:$0x2], $0x80, s26, s19, $0xb8;
	[tilespmem:$0x1E400] =	vst v63  }
0x9b: {  	_ =	swait.ge [sflag:s17], $0x4000  }
0x9c: {  	[sflag:s17] =	ssyncset.done $0x0  }
0x9d: {  	s25 =	sadd.s32 $0x180, s25;
	[sflag:s17] =	ssyncadd.s32 $0xFFFFC000  }
0x9e: {  	[tilespmem:s20], [sflag:$0x1] =	stream.indirect.gather [hbm4b:s0+s19], $0x80, s25, s19, $0xb8;
	[tilespmem:$0x1E400] =	vst v63  }
0x9f: {  	_ =	swait.ge [sflag:s21], $0x4000  }
0xa0: {  	[sflag:s21] =	ssyncset.done $0x0  }
0xa1: {  	[sflag:s21] =	ssyncadd.s32 $0xFFFFC000  }
0xa2: {  	[spmem:s3] =	stream.indirect.scatter.add.f32 [tilespmem:s16], [sflag:$0x2], $0x80, s22, s19, $0xb8;
	[tilespmem:$0x1E400] =	vst v63  }
0xa3: {  	_ =	swait.ge [sflag:s17], $0x4000  }
0xa4: {  	[sflag:s17] =	ssyncset.done $0x0  }
0xa5: {  	[sflag:s17] =	ssyncadd.s32 $0xFFFFC000  }
0xa6: {  	_ =	swait.ge [sflag:s21], $0x4000  }
0xa7: {  	[sflag:s21] =	ssyncset.done $0x0  }
0xa8: {  	[sflag:s21] =	ssyncadd.s32 $0xFFFFC000  }
0xa9: {  	[spmem:s3] =	stream.indirect.scatter.add.f32 [tilespmem:s20], [sflag:$0x2], $0x80, s23, s19, $0xb8;
	[tilespmem:$0x1E400] =	vst v63  }
0xaa: {  	_ =	swait.ge [sflag:s17], $0x4000  }
0xab: {  	s24 =	sshll.u32 s2, $0x6;
	s4 =	sadd.s32 $0x1, s4;
	[sflag:s17] =	ssyncset.done $0x0  }
0xac: {  	s31 =	sshrl.u32 s5, $0x3;
	p0 =	sne.s32 s4, s15;
	[sflag:s17] =	ssyncadd.s32 $0xFFFFC000  }
.Ltmp3:
0xad: {  	s24 =	sor.u32 $0x1C02, s24;
	[bflag:$0x0] =	sbarrier.arrive $0xFFFF;
	(pc) =	sbr.rel @p0 .LBB2_1-.Ltmp3, $4  }
0xae: {  	[hbm:s14], [sflag:s24] =	dma.local [spmem:s31], $0x2780  }
0xaf: {  	_ =	swait.ge [sflag:s17], $0x2780  }
0xb0: {  	[sflag:s17] =	ssyncset.done $0x0  }
0xb1: {  	[sflag:s17] =	ssyncadd.s32 $0xFFFFD880  }
0xb2: {  	_ =	sfence.sel $0x180000  }
0xb3: {  	[bflag:$0x0] =	sbarrier.arrive $0xFFFF  }
0xb4: {  	p0 =	sne.s32 s2, $0x0;
	_ =	strace $0x90000047  }
0xb5: {  	s0 =	sadd.s32 @!p0 $0x100000, s1;
	[bflag:$0x2] =	sbarrier.arrive $0xFFFF  }
0xb6: {  	[sflag:s0] =	ssyncadd.tile.s32 @!p0 $0x1;
	_ =	shalt  }
.Lfunc_end2:
_tile_overlayer_lowered:
.L_overlay_start_2:
0xb7: {  	(tag) =	ssettag $0x2  }
0xb8: {  	s0 =	rddreg [dreg:$0x0];
	s2 =	stileid.u32  }
0xb9: {  	s1 =	rddreg [dreg:$0x1];
	p0 =	sne.s32 s2, $0x0  }
0xba: {  	s3 =	rddreg [dreg:$0x2];
	[bflag:$0x3] =	sbarrier.arrive $0xFFFF;
	s2 =	simm.s32 @!p0 $0x1C02  }
0xbb: {  	[timem:s3], [sflag:s2] =	dma.local @!p0 [hbm:s0], s1  }
0xbc: {  	s0 =	simm.s32 @!p0 $0x2  }
0xbd: {  	_ =	swait.ge @!p0 [sflag:s0], s1  }
0xbe: {  	s1 =	ssub.s32 @!p0 $0x0, s1;
	[sflag:s0] =	ssyncset.done @!p0 $0x0  }
0xbf: {  	[sflag:s0] =	ssyncadd.s32 @!p0 s1  }
0xc0: {  	[bflag:$0x3] =	sbarrier.arrive $0xFFFF  }
0xc1: {  	_ =	shalt  }

</sc_bundles>
